<compile_context>
chip_gen: v7x
topology: tpu7x:2x2x1
jax: 0.10.2.dev20260603
libtpu: 0.0.44.dev20260713+nightly
codegen_flags: <defaults>
</compile_context>

<pallas_src>
import functools

import jax
import jax.numpy as jnp
from jax import lax
from jax.experimental import pallas as pl
from jax.experimental.pallas import tpu as pltpu
from jax.experimental.pallas import tpu_sc as plsc

DIM = 32
SEQ = 50
NBUF = 8
LEAD = 6


@functools.lru_cache(maxsize=None)
def _build(n_samples, vocab):
    info = plsc.get_sparse_core_info()
    nw = info.num_cores * info.num_subcores
    assert n_samples % (nw * NBUF) == 0, n_samples
    cpw = n_samples // nw
    mesh = plsc.VectorSubcoreMesh(core_axis_name="c", subcore_axis_name="s")

    @functools.partial(
        pl.kernel,
        mesh=mesh,
        out_type=jax.ShapeDtypeStruct((n_samples, SEQ, DIM), jnp.float32),
        scratch_types=(
            [pltpu.VMEM((cpw, SEQ), jnp.int32)]
            + [pltpu.VMEM((SEQ, DIM), jnp.float32) for _ in range(NBUF)]
            + [pltpu.SemaphoreType.DMA for _ in range(2 * NBUF)]
        ),
        compiler_params=pltpu.CompilerParams(use_tc_tiling_on_sc=False),
    )
    def k(table, idx_hbm, out, idx_v, *rest):
        bufs = rest[:NBUF]
        gsems = rest[NBUF:2 * NBUF]
        wsems = rest[2 * NBUF:3 * NBUF]
        wid = lax.axis_index("s") * info.num_cores + lax.axis_index("c")
        base = wid * cpw

        pltpu.sync_copy(idx_hbm.at[pl.ds(base, cpw)], idx_v)

        for j in range(LEAD):
            pltpu.make_async_copy(
                table.at[idx_v.at[j]], bufs[j % NBUF], gsems[j % NBUF]
            ).start()

        n_outer = cpw // NBUF

        def outer(jo, carry):
            for buf_i in range(NBUF):
                i = jo * NBUF + buf_i
                pltpu.make_async_copy(
                    table.at[idx_v.at[i]], bufs[buf_i], gsems[buf_i]
                ).wait()
                pltpu.make_async_copy(
                    bufs[buf_i], out.at[base + i], wsems[buf_i]
                ).start()
                nb = (buf_i + LEAD) % NBUF

                @pl.when(i + LEAD - NBUF >= 0)
                def _():
                    pltpu.make_async_copy(
                        bufs[nb],
                        out.at[base + i + LEAD - NBUF],
                        wsems[nb],
                    ).wait()

                @pl.when(i + LEAD < cpw)
                def _():
                    pltpu.make_async_copy(
                        table.at[idx_v.at[i + LEAD]], bufs[nb], gsems[nb]
                    ).start()

            return carry

        lax.fori_loop(0, n_outer, outer, 0)

        for t in range(NBUF - LEAD):
            i = cpw - (NBUF - LEAD) + t
            pltpu.make_async_copy(
                bufs[i % NBUF], out.at[base + i], wsems[i % NBUF]
            ).wait()

    return k


def kernel(ids, emb):
    n_samples, seq = ids.shape
    assert seq == SEQ and emb.shape[1] == DIM, (ids.shape, emb.shape)
    return _build(n_samples, emb.shape[0])(emb, ids.astype(jnp.int32))

# --- scband reference (transcript-rebuilt; emitter-appended) ---
"""Pipeline reference for scband-prompt-encoder-9216999817380 (READ-ONLY COPY).

The authoritative reference and input builder live on the scoring server;
editing this copy changes nothing except your own understanding.
"""

import jax, jax.numpy as jnp
import numpy as np

N_PROMPTS = 1000000
DIM = 32

def setup_inputs(seed: int = 0) -> dict:
    key = jax.random.key(seed)
    k_ids, k_emb = jax.random.split(key)
    ids = jax.random.randint(k_ids, (16384, 50), 0, N_PROMPTS, dtype=jnp.int64)
    emb = jax.random.normal(k_emb, (N_PROMPTS, DIM), dtype=jnp.float32)
    return {"ids": ids, "emb": emb}

def reference(ids, emb):
    # nn.Embedding lookup: gather rows of the table
    return jnp.take(emb, ids, axis=0)

if __name__ == "__main__":
    import jax
    _d = setup_inputs()
    print(jax.jit(kernel)(*tuple(_d.values())))

</pallas_src>

<mosaic_0001>
#map = affine_map<(d0, d1) -> (0, 0)>
#map1 = affine_map<(d0, d1) -> (0, 0, 0)>
module attributes {stable_mosaic.version = 14 : i64} {
  func.func @k(%arg0: i32, %arg1: i32, %arg2: memref<1000000x32xf32, #tpu.memory_space<hbm>>, %arg3: memref<16384x50xi32, #tpu.memory_space<hbm>>, %arg4: memref<16384x50x32xf32, #tpu.memory_space<hbm>>, %arg5: memref<512x50xi32, #tpu.memory_space<vmem>>, %arg6: memref<50x32xf32, #tpu.memory_space<vmem>>, %arg7: memref<50x32xf32, #tpu.memory_space<vmem>>, %arg8: memref<50x32xf32, #tpu.memory_space<vmem>>, %arg9: memref<50x32xf32, #tpu.memory_space<vmem>>, %arg10: memref<50x32xf32, #tpu.memory_space<vmem>>, %arg11: memref<50x32xf32, #tpu.memory_space<vmem>>, %arg12: memref<50x32xf32, #tpu.memory_space<vmem>>, %arg13: memref<50x32xf32, #tpu.memory_space<vmem>>, %arg14: memref<!tpu.dma_semaphore, #tpu.memory_space<semaphore_mem>>, %arg15: memref<!tpu.dma_semaphore, #tpu.memory_space<semaphore_mem>>, %arg16: memref<!tpu.dma_semaphore, #tpu.memory_space<semaphore_mem>>, %arg17: memref<!tpu.dma_semaphore, #tpu.memory_space<semaphore_mem>>, %arg18: memref<!tpu.dma_semaphore, #tpu.memory_space<semaphore_mem>>, %arg19: memref<!tpu.dma_semaphore, #tpu.memory_space<semaphore_mem>>, %arg20: memref<!tpu.dma_semaphore, #tpu.memory_space<semaphore_mem>>, %arg21: memref<!tpu.dma_semaphore, #tpu.memory_space<semaphore_mem>>, %arg22: memref<!tpu.dma_semaphore, #tpu.memory_space<semaphore_mem>>, %arg23: memref<!tpu.dma_semaphore, #tpu.memory_space<semaphore_mem>>, %arg24: memref<!tpu.dma_semaphore, #tpu.memory_space<semaphore_mem>>, %arg25: memref<!tpu.dma_semaphore, #tpu.memory_space<semaphore_mem>>, %arg26: memref<!tpu.dma_semaphore, #tpu.memory_space<semaphore_mem>>, %arg27: memref<!tpu.dma_semaphore, #tpu.memory_space<semaphore_mem>>, %arg28: memref<!tpu.dma_semaphore, #tpu.memory_space<semaphore_mem>>, %arg29: memref<!tpu.dma_semaphore, #tpu.memory_space<semaphore_mem>>) attributes {dimension_semantics = [#tpu.dimension_semantics<core_parallel>, #tpu.dimension_semantics<subcore_parallel>], iteration_bounds = array<i64: 2, 16>, scalar_prefetch = 0 : i64, scratch_operands = 25 : i64, tpu.core_type = #tpu.core_type<sc_vector_subcore>, window_params = [{transform_indices = #map}, {transform_indices = #map}, {transform_indices = #map1}]} {
    %mul3A = arith.constant 2 : i32
    %mul3A_0 = arith.muli %arg1, %mul3A : i32
    %add3A = arith.addi %mul3A_0, %arg0 : i32
    %mul3A_1 = arith.constant 512 : i32
    %mul3A_2 = arith.muli %add3A, %mul3A_1 : i32
    "tpu.region"() ({
      %run_scoped3A = tpu.sem_alloc : memref<!tpu.dma_semaphore, #tpu.memory_space<semaphore_mem>>
      %dma_start3A_68 = arith.constant 0 : i32
      %dma_start3A_69 = tpu.memref_slice %arg3[%mul3A_2, %dma_start3A_68] : memref<16384x50xi32, #tpu.memory_space<hbm>> -> memref<512x50xi32, #tpu.memory_space<hbm>>
      %dma_start3A_70 = arith.constant 0 : i32
      %dma_start3A_71 = tpu.memref_slice %arg3[%mul3A_2, %dma_start3A_70] : memref<16384x50xi32, #tpu.memory_space<hbm>> -> memref<512x50xi32, #tpu.memory_space<hbm>>
      tpu.enqueue_dma source(%dma_start3A_71 : memref<512x50xi32, #tpu.memory_space<hbm>>) target(%arg5 : memref<512x50xi32, #tpu.memory_space<vmem>>) target_semaphore(%run_scoped3A : memref<!tpu.dma_semaphore, #tpu.memory_space<semaphore_mem>>)
      %dma_wait3A_72 = arith.constant 0 : i32
      %dma_wait3A_73 = tpu.memref_slice %arg3[%mul3A_2, %dma_wait3A_72] : memref<16384x50xi32, #tpu.memory_space<hbm>> -> memref<512x50xi32, #tpu.memory_space<hbm>>
      %dma_wait3A_74 = arith.constant 0 : i32
      %dma_wait3A_75 = tpu.memref_slice %arg3[%mul3A_2, %dma_wait3A_74] : memref<16384x50xi32, #tpu.memory_space<hbm>> -> memref<512x50xi32, #tpu.memory_space<hbm>>
      tpu.wait_dma2 semaphore(%run_scoped3A : memref<!tpu.dma_semaphore, #tpu.memory_space<semaphore_mem>>) src(%dma_wait3A_75 : memref<512x50xi32, #tpu.memory_space<hbm>>) dst(%arg5 : memref<512x50xi32, #tpu.memory_space<vmem>>)
      tpu.yield
    }) : () -> ()
    %dma_start3A = arith.constant 0 : i32
    %dma_start3A_3 = arith.constant 0 : i32
    %dma_start3A_4 = tpu.memref_slice %arg5[%dma_start3A, %dma_start3A_3] : memref<512x50xi32, #tpu.memory_space<vmem>> -> memref<1x50xi32, #tpu.memory_space<vmem>>
    %dma_start3A_5 = tpu.memref_squeeze %dma_start3A_4 : memref<1x50xi32, #tpu.memory_space<vmem>> -> memref<50xi32, #tpu.memory_space<vmem>>
    %dma_start3A_6 = arith.constant 0 : i32
    %dma_start3A_7 = arith.constant 0 : i32
    %dma_start3A_8 = tpu.memref_slice %arg2[%dma_start3A_6, %dma_start3A_7] : memref<1000000x32xf32, #tpu.memory_space<hbm>> -> memref<1000000x32xf32, #tpu.memory_space<hbm>>
    tpu.enqueue_indirect_dma source(%dma_start3A_8 : memref<1000000x32xf32, #tpu.memory_space<hbm>>) target(%arg6 : memref<50x32xf32, #tpu.memory_space<vmem>>) offsets(%dma_start3A_5 : memref<50xi32, #tpu.memory_space<vmem>>) semaphore(%arg14 : memref<!tpu.dma_semaphore, #tpu.memory_space<semaphore_mem>>)
    %dma_start3A_9 = arith.constant 1 : i32
    %dma_start3A_10 = arith.constant 0 : i32
    %dma_start3A_11 = tpu.memref_slice %arg5[%dma_start3A_9, %dma_start3A_10] : memref<512x50xi32, #tpu.memory_space<vmem>> -> memref<1x50xi32, #tpu.memory_space<vmem>>
    %dma_start3A_12 = tpu.memref_squeeze %dma_start3A_11 : memref<1x50xi32, #tpu.memory_space<vmem>> -> memref<50xi32, #tpu.memory_space<vmem>>
    %dma_start3A_13 = arith.constant 0 : i32
    %dma_start3A_14 = arith.constant 0 : i32
    %dma_start3A_15 = tpu.memref_slice %arg2[%dma_start3A_13, %dma_start3A_14] : memref<1000000x32xf32, #tpu.memory_space<hbm>> -> memref<1000000x32xf32, #tpu.memory_space<hbm>>
    tpu.enqueue_indirect_dma source(%dma_start3A_15 : memref<1000000x32xf32, #tpu.memory_space<hbm>>) target(%arg7 : memref<50x32xf32, #tpu.memory_space<vmem>>) offsets(%dma_start3A_12 : memref<50xi32, #tpu.memory_space<vmem>>) semaphore(%arg15 : memref<!tpu.dma_semaphore, #tpu.memory_space<semaphore_mem>>)
    %dma_start3A_16 = arith.constant 2 : i32
    %dma_start3A_17 = arith.constant 0 : i32
    %dma_start3A_18 = tpu.memref_slice %arg5[%dma_start3A_16, %dma_start3A_17] : memref<512x50xi32, #tpu.memory_space<vmem>> -> memref<1x50xi32, #tpu.memory_space<vmem>>
    %dma_start3A_19 = tpu.memref_squeeze %dma_start3A_18 : memref<1x50xi32, #tpu.memory_space<vmem>> -> memref<50xi32, #tpu.memory_space<vmem>>
    %dma_start3A_20 = arith.constant 0 : i32
    %dma_start3A_21 = arith.constant 0 : i32
    %dma_start3A_22 = tpu.memref_slice %arg2[%dma_start3A_20, %dma_start3A_21] : memref<1000000x32xf32, #tpu.memory_space<hbm>> -> memref<1000000x32xf32, #tpu.memory_space<hbm>>
    tpu.enqueue_indirect_dma source(%dma_start3A_22 : memref<1000000x32xf32, #tpu.memory_space<hbm>>) target(%arg8 : memref<50x32xf32, #tpu.memory_space<vmem>>) offsets(%dma_start3A_19 : memref<50xi32, #tpu.memory_space<vmem>>) semaphore(%arg16 : memref<!tpu.dma_semaphore, #tpu.memory_space<semaphore_mem>>)
    %dma_start3A_23 = arith.constant 3 : i32
    %dma_start3A_24 = arith.constant 0 : i32
    %dma_start3A_25 = tpu.memref_slice %arg5[%dma_start3A_23, %dma_start3A_24] : memref<512x50xi32, #tpu.memory_space<vmem>> -> memref<1x50xi32, #tpu.memory_space<vmem>>
    %dma_start3A_26 = tpu.memref_squeeze %dma_start3A_25 : memref<1x50xi32, #tpu.memory_space<vmem>> -> memref<50xi32, #tpu.memory_space<vmem>>
    %dma_start3A_27 = arith.constant 0 : i32
    %dma_start3A_28 = arith.constant 0 : i32
    %dma_start3A_29 = tpu.memref_slice %arg2[%dma_start3A_27, %dma_start3A_28] : memref<1000000x32xf32, #tpu.memory_space<hbm>> -> memref<1000000x32xf32, #tpu.memory_space<hbm>>
    tpu.enqueue_indirect_dma source(%dma_start3A_29 : memref<1000000x32xf32, #tpu.memory_space<hbm>>) target(%arg9 : memref<50x32xf32, #tpu.memory_space<vmem>>) offsets(%dma_start3A_26 : memref<50xi32, #tpu.memory_space<vmem>>) semaphore(%arg17 : memref<!tpu.dma_semaphore, #tpu.memory_space<semaphore_mem>>)
    %dma_start3A_30 = arith.constant 4 : i32
    %dma_start3A_31 = arith.constant 0 : i32
    %dma_start3A_32 = tpu.memref_slice %arg5[%dma_start3A_30, %dma_start3A_31] : memref<512x50xi32, #tpu.memory_space<vmem>> -> memref<1x50xi32, #tpu.memory_space<vmem>>
    %dma_start3A_33 = tpu.memref_squeeze %dma_start3A_32 : memref<1x50xi32, #tpu.memory_space<vmem>> -> memref<50xi32, #tpu.memory_space<vmem>>
    %dma_start3A_34 = arith.constant 0 : i32
    %dma_start3A_35 = arith.constant 0 : i32
    %dma_start3A_36 = tpu.memref_slice %arg2[%dma_start3A_34, %dma_start3A_35] : memref<1000000x32xf32, #tpu.memory_space<hbm>> -> memref<1000000x32xf32, #tpu.memory_space<hbm>>
    tpu.enqueue_indirect_dma source(%dma_start3A_36 : memref<1000000x32xf32, #tpu.memory_space<hbm>>) target(%arg10 : memref<50x32xf32, #tpu.memory_space<vmem>>) offsets(%dma_start3A_33 : memref<50xi32, #tpu.memory_space<vmem>>) semaphore(%arg18 : memref<!tpu.dma_semaphore, #tpu.memory_space<semaphore_mem>>)
    %dma_start3A_37 = arith.constant 5 : i32
    %dma_start3A_38 = arith.constant 0 : i32
    %dma_start3A_39 = tpu.memref_slice %arg5[%dma_start3A_37, %dma_start3A_38] : memref<512x50xi32, #tpu.memory_space<vmem>> -> memref<1x50xi32, #tpu.memory_space<vmem>>
    %dma_start3A_40 = tpu.memref_squeeze %dma_start3A_39 : memref<1x50xi32, #tpu.memory_space<vmem>> -> memref<50xi32, #tpu.memory_space<vmem>>
    %dma_start3A_41 = arith.constant 0 : i32
    %dma_start3A_42 = arith.constant 0 : i32
    %dma_start3A_43 = tpu.memref_slice %arg2[%dma_start3A_41, %dma_start3A_42] : memref<1000000x32xf32, #tpu.memory_space<hbm>> -> memref<1000000x32xf32, #tpu.memory_space<hbm>>
    tpu.enqueue_indirect_dma source(%dma_start3A_43 : memref<1000000x32xf32, #tpu.memory_space<hbm>>) target(%arg11 : memref<50x32xf32, #tpu.memory_space<vmem>>) offsets(%dma_start3A_40 : memref<50xi32, #tpu.memory_space<vmem>>) semaphore(%arg19 : memref<!tpu.dma_semaphore, #tpu.memory_space<semaphore_mem>>)
    %scan3A = arith.constant 0 : i32
    %scan3A_44 = arith.constant 0 : i32
    %scan3A_45 = arith.constant 64 : i32
    %scan3A_46 = arith.addi %scan3A_44, %scan3A_45 : i32
    %scan3A_47 = arith.constant 1 : i32
    scf.for %scan3A_68 = %scan3A_44 to %scan3A_46 step %scan3A_47  : i32 {
      %mul3A_69 = arith.constant 8 : i32
      %mul3A_70 = arith.muli %scan3A_68, %mul3A_69 : i32
      %add3A_71 = arith.constant 0 : i32
      %add3A_72 = arith.addi %mul3A_70, %add3A_71 : i32
      %dma_wait3A_73 = arith.constant 0 : i32
      %dma_wait3A_74 = tpu.memref_slice %arg5[%add3A_72, %dma_wait3A_73] : memref<512x50xi32, #tpu.memory_space<vmem>> -> memref<1x50xi32, #tpu.memory_space<vmem>>
      %dma_wait3A_75 = tpu.memref_squeeze %dma_wait3A_74 : memref<1x50xi32, #tpu.memory_space<vmem>> -> memref<50xi32, #tpu.memory_space<vmem>>
      %dma_wait3A_76 = arith.constant 0 : i32
      %dma_wait3A_77 = arith.constant 0 : i32
      %dma_wait3A_78 = tpu.memref_slice %arg2[%dma_wait3A_76, %dma_wait3A_77] : memref<1000000x32xf32, #tpu.memory_space<hbm>> -> memref<1000000x32xf32, #tpu.memory_space<hbm>>
      tpu.wait_indirect_dma semaphore(%arg14 : memref<!tpu.dma_semaphore, #tpu.memory_space<semaphore_mem>>) src(%dma_wait3A_78 : memref<1000000x32xf32, #tpu.memory_space<hbm>>) dst(%arg6 : memref<50x32xf32, #tpu.memory_space<vmem>>)
      %add3A_79 = arith.addi %mul3A_2, %add3A_72 : i32
      %dma_start3A_80 = arith.constant 0 : i32
      %dma_start3A_81 = arith.constant 0 : i32
      %dma_start3A_82 = tpu.memref_slice %arg4[%add3A_79, %dma_start3A_80, %dma_start3A_81] : memref<16384x50x32xf32, #tpu.memory_space<hbm>> -> memref<1x50x32xf32, #tpu.memory_space<hbm>>
      %dma_start3A_83 = tpu.memref_squeeze %dma_start3A_82 : memref<1x50x32xf32, #tpu.memory_space<hbm>> -> memref<50x32xf32, #tpu.memory_space<hbm>>
      %dma_start3A_84 = arith.constant 0 : i32
      %dma_start3A_85 = arith.constant 0 : i32
      %dma_start3A_86 = tpu.memref_slice %arg4[%add3A_79, %dma_start3A_84, %dma_start3A_85] : memref<16384x50x32xf32, #tpu.memory_space<hbm>> -> memref<1x50x32xf32, #tpu.memory_space<hbm>>
      %dma_start3A_87 = tpu.memref_squeeze %dma_start3A_86 : memref<1x50x32xf32, #tpu.memory_space<hbm>> -> memref<50x32xf32, #tpu.memory_space<hbm>>
      tpu.enqueue_dma source(%arg6 : memref<50x32xf32, #tpu.memory_space<vmem>>) target(%dma_start3A_87 : memref<50x32xf32, #tpu.memory_space<hbm>>) target_semaphore(%arg22 : memref<!tpu.dma_semaphore, #tpu.memory_space<semaphore_mem>>)
      %add3A_88 = arith.constant 6 : i32
      %add3A_89 = arith.addi %add3A_72, %add3A_88 : i32
      %sub3A = arith.constant 8 : i32
      %sub3A_90 = arith.subi %add3A_89, %sub3A : i32
      %ge3A = arith.constant 0 : i32
      %ge3A_91 = arith.cmpi sge, %sub3A_90, %ge3A : i32
      %convert_element_type3A = arith.extui %ge3A_91 : i1 to i32
      %cond3A = arith.constant 0 : i32
      %cond3A_92 = arith.cmpi ne, %convert_element_type3A, %cond3A : i32
      scf.if %cond3A_92 {
        %add3A_344 = arith.addi %mul3A_2, %add3A_72 : i32
        %add3A_345 = arith.constant 6 : i32
        %add3A_346 = arith.addi %add3A_344, %add3A_345 : i32
        %sub3A_347 = arith.constant 8 : i32
        %sub3A_348 = arith.subi %add3A_346, %sub3A_347 : i32
        %dma_wait3A_349 = arith.constant 0 : i32
        %dma_wait3A_350 = arith.constant 0 : i32
        %dma_wait3A_351 = tpu.memref_slice %arg4[%sub3A_348, %dma_wait3A_349, %dma_wait3A_350] : memref<16384x50x32xf32, #tpu.memory_space<hbm>> -> memref<1x50x32xf32, #tpu.memory_space<hbm>>
        %dma_wait3A_352 = tpu.memref_squeeze %dma_wait3A_351 : memref<1x50x32xf32, #tpu.memory_space<hbm>> -> memref<50x32xf32, #tpu.memory_space<hbm>>
        %dma_wait3A_353 = arith.constant 0 : i32
        %dma_wait3A_354 = arith.constant 0 : i32
        %dma_wait3A_355 = tpu.memref_slice %arg4[%sub3A_348, %dma_wait3A_353, %dma_wait3A_354] : memref<16384x50x32xf32, #tpu.memory_space<hbm>> -> memref<1x50x32xf32, #tpu.memory_space<hbm>>
        %dma_wait3A_356 = tpu.memref_squeeze %dma_wait3A_355 : memref<1x50x32xf32, #tpu.memory_space<hbm>> -> memref<50x32xf32, #tpu.memory_space<hbm>>
        tpu.wait_dma2 semaphore(%arg28 : memref<!tpu.dma_semaphore, #tpu.memory_space<semaphore_mem>>) src(%arg12 : memref<50x32xf32, #tpu.memory_space<vmem>>) dst(%dma_wait3A_356 : memref<50x32xf32, #tpu.memory_space<hbm>>)
      } else {
      }
      %add3A_93 = arith.constant 6 : i32
      %add3A_94 = arith.addi %add3A_72, %add3A_93 : i32
      %lt3A = arith.constant 512 : i32
      %lt3A_95 = arith.cmpi slt, %add3A_94, %lt3A : i32
      %convert_element_type3A_96 = arith.extui %lt3A_95 : i1 to i32
      %cond3A_97 = arith.constant 0 : i32
      %cond3A_98 = arith.cmpi ne, %convert_element_type3A_96, %cond3A_97 : i32
      scf.if %cond3A_98 {
        %add3A_344 = arith.constant 6 : i32
        %add3A_345 = arith.addi %add3A_72, %add3A_344 : i32
        %dma_start3A_346 = arith.constant 0 : i32
        %dma_start3A_347 = tpu.memref_slice %arg5[%add3A_345, %dma_start3A_346] : memref<512x50xi32, #tpu.memory_space<vmem>> -> memref<1x50xi32, #tpu.memory_space<vmem>>
        %dma_start3A_348 = tpu.memref_squeeze %dma_start3A_347 : memref<1x50xi32, #tpu.memory_space<vmem>> -> memref<50xi32, #tpu.memory_space<vmem>>
        %dma_start3A_349 = arith.constant 0 : i32
        %dma_start3A_350 = arith.constant 0 : i32
        %dma_start3A_351 = tpu.memref_slice %arg2[%dma_start3A_349, %dma_start3A_350] : memref<1000000x32xf32, #tpu.memory_space<hbm>> -> memref<1000000x32xf32, #tpu.memory_space<hbm>>
        tpu.enqueue_indirect_dma source(%dma_start3A_351 : memref<1000000x32xf32, #tpu.memory_space<hbm>>) target(%arg12 : memref<50x32xf32, #tpu.memory_space<vmem>>) offsets(%dma_start3A_348 : memref<50xi32, #tpu.memory_space<vmem>>) semaphore(%arg20 : memref<!tpu.dma_semaphore, #tpu.memory_space<semaphore_mem>>)
      } else {
      }
      %mul3A_99 = arith.constant 8 : i32
      %mul3A_100 = arith.muli %scan3A_68, %mul3A_99 : i32
      %add3A_101 = arith.constant 1 : i32
      %add3A_102 = arith.addi %mul3A_100, %add3A_101 : i32
      %dma_wait3A_103 = arith.constant 0 : i32
      %dma_wait3A_104 = tpu.memref_slice %arg5[%add3A_102, %dma_wait3A_103] : memref<512x50xi32, #tpu.memory_space<vmem>> -> memref<1x50xi32, #tpu.memory_space<vmem>>
      %dma_wait3A_105 = tpu.memref_squeeze %dma_wait3A_104 : memref<1x50xi32, #tpu.memory_space<vmem>> -> memref<50xi32, #tpu.memory_space<vmem>>
      %dma_wait3A_106 = arith.constant 0 : i32
      %dma_wait3A_107 = arith.constant 0 : i32
      %dma_wait3A_108 = tpu.memref_slice %arg2[%dma_wait3A_106, %dma_wait3A_107] : memref<1000000x32xf32, #tpu.memory_space<hbm>> -> memref<1000000x32xf32, #tpu.memory_space<hbm>>
      tpu.wait_indirect_dma semaphore(%arg15 : memref<!tpu.dma_semaphore, #tpu.memory_space<semaphore_mem>>) src(%dma_wait3A_108 : memref<1000000x32xf32, #tpu.memory_space<hbm>>) dst(%arg7 : memref<50x32xf32, #tpu.memory_space<vmem>>)
      %add3A_109 = arith.addi %mul3A_2, %add3A_102 : i32
      %dma_start3A_110 = arith.constant 0 : i32
      %dma_start3A_111 = arith.constant 0 : i32
      %dma_start3A_112 = tpu.memref_slice %arg4[%add3A_109, %dma_start3A_110, %dma_start3A_111] : memref<16384x50x32xf32, #tpu.memory_space<hbm>> -> memref<1x50x32xf32, #tpu.memory_space<hbm>>
      %dma_start3A_113 = tpu.memref_squeeze %dma_start3A_112 : memref<1x50x32xf32, #tpu.memory_space<hbm>> -> memref<50x32xf32, #tpu.memory_space<hbm>>
      %dma_start3A_114 = arith.constant 0 : i32
      %dma_start3A_115 = arith.constant 0 : i32
      %dma_start3A_116 = tpu.memref_slice %arg4[%add3A_109, %dma_start3A_114, %dma_start3A_115] : memref<16384x50x32xf32, #tpu.memory_space<hbm>> -> memref<1x50x32xf32, #tpu.memory_space<hbm>>
      %dma_start3A_117 = tpu.memref_squeeze %dma_start3A_116 : memref<1x50x32xf32, #tpu.memory_space<hbm>> -> memref<50x32xf32, #tpu.memory_space<hbm>>
      tpu.enqueue_dma source(%arg7 : memref<50x32xf32, #tpu.memory_space<vmem>>) target(%dma_start3A_117 : memref<50x32xf32, #tpu.memory_space<hbm>>) target_semaphore(%arg23 : memref<!tpu.dma_semaphore, #tpu.memory_space<semaphore_mem>>)
      %add3A_118 = arith.constant 6 : i32
      %add3A_119 = arith.addi %add3A_102, %add3A_118 : i32
      %sub3A_120 = arith.constant 8 : i32
      %sub3A_121 = arith.subi %add3A_119, %sub3A_120 : i32
      %ge3A_122 = arith.constant 0 : i32
      %ge3A_123 = arith.cmpi sge, %sub3A_121, %ge3A_122 : i32
      %convert_element_type3A_124 = arith.extui %ge3A_123 : i1 to i32
      %cond3A_125 = arith.constant 0 : i32
      %cond3A_126 = arith.cmpi ne, %convert_element_type3A_124, %cond3A_125 : i32
      scf.if %cond3A_126 {
        %add3A_344 = arith.addi %mul3A_2, %add3A_102 : i32
        %add3A_345 = arith.constant 6 : i32
        %add3A_346 = arith.addi %add3A_344, %add3A_345 : i32
        %sub3A_347 = arith.constant 8 : i32
        %sub3A_348 = arith.subi %add3A_346, %sub3A_347 : i32
        %dma_wait3A_349 = arith.constant 0 : i32
        %dma_wait3A_350 = arith.constant 0 : i32
        %dma_wait3A_351 = tpu.memref_slice %arg4[%sub3A_348, %dma_wait3A_349, %dma_wait3A_350] : memref<16384x50x32xf32, #tpu.memory_space<hbm>> -> memref<1x50x32xf32, #tpu.memory_space<hbm>>
        %dma_wait3A_352 = tpu.memref_squeeze %dma_wait3A_351 : memref<1x50x32xf32, #tpu.memory_space<hbm>> -> memref<50x32xf32, #tpu.memory_space<hbm>>
        %dma_wait3A_353 = arith.constant 0 : i32
        %dma_wait3A_354 = arith.constant 0 : i32
        %dma_wait3A_355 = tpu.memref_slice %arg4[%sub3A_348, %dma_wait3A_353, %dma_wait3A_354] : memref<16384x50x32xf32, #tpu.memory_space<hbm>> -> memref<1x50x32xf32, #tpu.memory_space<hbm>>
        %dma_wait3A_356 = tpu.memref_squeeze %dma_wait3A_355 : memref<1x50x32xf32, #tpu.memory_space<hbm>> -> memref<50x32xf32, #tpu.memory_space<hbm>>
        tpu.wait_dma2 semaphore(%arg29 : memref<!tpu.dma_semaphore, #tpu.memory_space<semaphore_mem>>) src(%arg13 : memref<50x32xf32, #tpu.memory_space<vmem>>) dst(%dma_wait3A_356 : memref<50x32xf32, #tpu.memory_space<hbm>>)
      } else {
      }
      %add3A_127 = arith.constant 6 : i32
      %add3A_128 = arith.addi %add3A_102, %add3A_127 : i32
      %lt3A_129 = arith.constant 512 : i32
      %lt3A_130 = arith.cmpi slt, %add3A_128, %lt3A_129 : i32
      %convert_element_type3A_131 = arith.extui %lt3A_130 : i1 to i32
      %cond3A_132 = arith.constant 0 : i32
      %cond3A_133 = arith.cmpi ne, %convert_element_type3A_131, %cond3A_132 : i32
      scf.if %cond3A_133 {
        %add3A_344 = arith.constant 6 : i32
        %add3A_345 = arith.addi %add3A_102, %add3A_344 : i32
        %dma_start3A_346 = arith.constant 0 : i32
        %dma_start3A_347 = tpu.memref_slice %arg5[%add3A_345, %dma_start3A_346] : memref<512x50xi32, #tpu.memory_space<vmem>> -> memref<1x50xi32, #tpu.memory_space<vmem>>
        %dma_start3A_348 = tpu.memref_squeeze %dma_start3A_347 : memref<1x50xi32, #tpu.memory_space<vmem>> -> memref<50xi32, #tpu.memory_space<vmem>>
        %dma_start3A_349 = arith.constant 0 : i32
        %dma_start3A_350 = arith.constant 0 : i32
        %dma_start3A_351 = tpu.memref_slice %arg2[%dma_start3A_349, %dma_start3A_350] : memref<1000000x32xf32, #tpu.memory_space<hbm>> -> memref<1000000x32xf32, #tpu.memory_space<hbm>>
        tpu.enqueue_indirect_dma source(%dma_start3A_351 : memref<1000000x32xf32, #tpu.memory_space<hbm>>) target(%arg13 : memref<50x32xf32, #tpu.memory_space<vmem>>) offsets(%dma_start3A_348 : memref<50xi32, #tpu.memory_space<vmem>>) semaphore(%arg21 : memref<!tpu.dma_semaphore, #tpu.memory_space<semaphore_mem>>)
      } else {
      }
      %mul3A_134 = arith.constant 8 : i32
      %mul3A_135 = arith.muli %scan3A_68, %mul3A_134 : i32
      %add3A_136 = arith.constant 2 : i32
      %add3A_137 = arith.addi %mul3A_135, %add3A_136 : i32
      %dma_wait3A_138 = arith.constant 0 : i32
      %dma_wait3A_139 = tpu.memref_slice %arg5[%add3A_137, %dma_wait3A_138] : memref<512x50xi32, #tpu.memory_space<vmem>> -> memref<1x50xi32, #tpu.memory_space<vmem>>
      %dma_wait3A_140 = tpu.memref_squeeze %dma_wait3A_139 : memref<1x50xi32, #tpu.memory_space<vmem>> -> memref<50xi32, #tpu.memory_space<vmem>>
      %dma_wait3A_141 = arith.constant 0 : i32
      %dma_wait3A_142 = arith.constant 0 : i32
      %dma_wait3A_143 = tpu.memref_slice %arg2[%dma_wait3A_141, %dma_wait3A_142] : memref<1000000x32xf32, #tpu.memory_space<hbm>> -> memref<1000000x32xf32, #tpu.memory_space<hbm>>
      tpu.wait_indirect_dma semaphore(%arg16 : memref<!tpu.dma_semaphore, #tpu.memory_space<semaphore_mem>>) src(%dma_wait3A_143 : memref<1000000x32xf32, #tpu.memory_space<hbm>>) dst(%arg8 : memref<50x32xf32, #tpu.memory_space<vmem>>)
      %add3A_144 = arith.addi %mul3A_2, %add3A_137 : i32
      %dma_start3A_145 = arith.constant 0 : i32
      %dma_start3A_146 = arith.constant 0 : i32
      %dma_start3A_147 = tpu.memref_slice %arg4[%add3A_144, %dma_start3A_145, %dma_start3A_146] : memref<16384x50x32xf32, #tpu.memory_space<hbm>> -> memref<1x50x32xf32, #tpu.memory_space<hbm>>
      %dma_start3A_148 = tpu.memref_squeeze %dma_start3A_147 : memref<1x50x32xf32, #tpu.memory_space<hbm>> -> memref<50x32xf32, #tpu.memory_space<hbm>>
      %dma_start3A_149 = arith.constant 0 : i32
      %dma_start3A_150 = arith.constant 0 : i32
      %dma_start3A_151 = tpu.memref_slice %arg4[%add3A_144, %dma_start3A_149, %dma_start3A_150] : memref<16384x50x32xf32, #tpu.memory_space<hbm>> -> memref<1x50x32xf32, #tpu.memory_space<hbm>>
      %dma_start3A_152 = tpu.memref_squeeze %dma_start3A_151 : memref<1x50x32xf32, #tpu.memory_space<hbm>> -> memref<50x32xf32, #tpu.memory_space<hbm>>
      tpu.enqueue_dma source(%arg8 : memref<50x32xf32, #tpu.memory_space<vmem>>) target(%dma_start3A_152 : memref<50x32xf32, #tpu.memory_space<hbm>>) target_semaphore(%arg24 : memref<!tpu.dma_semaphore, #tpu.memory_space<semaphore_mem>>)
      %add3A_153 = arith.constant 6 : i32
      %add3A_154 = arith.addi %add3A_137, %add3A_153 : i32
      %sub3A_155 = arith.constant 8 : i32
      %sub3A_156 = arith.subi %add3A_154, %sub3A_155 : i32
      %ge3A_157 = arith.constant 0 : i32
      %ge3A_158 = arith.cmpi sge, %sub3A_156, %ge3A_157 : i32
      %convert_element_type3A_159 = arith.extui %ge3A_158 : i1 to i32
      %cond3A_160 = arith.constant 0 : i32
      %cond3A_161 = arith.cmpi ne, %convert_element_type3A_159, %cond3A_160 : i32
      scf.if %cond3A_161 {
        %add3A_344 = arith.addi %mul3A_2, %add3A_137 : i32
        %add3A_345 = arith.constant 6 : i32
        %add3A_346 = arith.addi %add3A_344, %add3A_345 : i32
        %sub3A_347 = arith.constant 8 : i32
        %sub3A_348 = arith.subi %add3A_346, %sub3A_347 : i32
        %dma_wait3A_349 = arith.constant 0 : i32
        %dma_wait3A_350 = arith.constant 0 : i32
        %dma_wait3A_351 = tpu.memref_slice %arg4[%sub3A_348, %dma_wait3A_349, %dma_wait3A_350] : memref<16384x50x32xf32, #tpu.memory_space<hbm>> -> memref<1x50x32xf32, #tpu.memory_space<hbm>>
        %dma_wait3A_352 = tpu.memref_squeeze %dma_wait3A_351 : memref<1x50x32xf32, #tpu.memory_space<hbm>> -> memref<50x32xf32, #tpu.memory_space<hbm>>
        %dma_wait3A_353 = arith.constant 0 : i32
        %dma_wait3A_354 = arith.constant 0 : i32
        %dma_wait3A_355 = tpu.memref_slice %arg4[%sub3A_348, %dma_wait3A_353, %dma_wait3A_354] : memref<16384x50x32xf32, #tpu.memory_space<hbm>> -> memref<1x50x32xf32, #tpu.memory_space<hbm>>
        %dma_wait3A_356 = tpu.memref_squeeze %dma_wait3A_355 : memref<1x50x32xf32, #tpu.memory_space<hbm>> -> memref<50x32xf32, #tpu.memory_space<hbm>>
        tpu.wait_dma2 semaphore(%arg22 : memref<!tpu.dma_semaphore, #tpu.memory_space<semaphore_mem>>) src(%arg6 : memref<50x32xf32, #tpu.memory_space<vmem>>) dst(%dma_wait3A_356 : memref<50x32xf32, #tpu.memory_space<hbm>>)
      } else {
      }
      %add3A_162 = arith.constant 6 : i32
      %add3A_163 = arith.addi %add3A_137, %add3A_162 : i32
      %lt3A_164 = arith.constant 512 : i32
      %lt3A_165 = arith.cmpi slt, %add3A_163, %lt3A_164 : i32
      %convert_element_type3A_166 = arith.extui %lt3A_165 : i1 to i32
      %cond3A_167 = arith.constant 0 : i32
      %cond3A_168 = arith.cmpi ne, %convert_element_type3A_166, %cond3A_167 : i32
      scf.if %cond3A_168 {
        %add3A_344 = arith.constant 6 : i32
        %add3A_345 = arith.addi %add3A_137, %add3A_344 : i32
        %dma_start3A_346 = arith.constant 0 : i32
        %dma_start3A_347 = tpu.memref_slice %arg5[%add3A_345, %dma_start3A_346] : memref<512x50xi32, #tpu.memory_space<vmem>> -> memref<1x50xi32, #tpu.memory_space<vmem>>
        %dma_start3A_348 = tpu.memref_squeeze %dma_start3A_347 : memref<1x50xi32, #tpu.memory_space<vmem>> -> memref<50xi32, #tpu.memory_space<vmem>>
        %dma_start3A_349 = arith.constant 0 : i32
        %dma_start3A_350 = arith.constant 0 : i32
        %dma_start3A_351 = tpu.memref_slice %arg2[%dma_start3A_349, %dma_start3A_350] : memref<1000000x32xf32, #tpu.memory_space<hbm>> -> memref<1000000x32xf32, #tpu.memory_space<hbm>>
        tpu.enqueue_indirect_dma source(%dma_start3A_351 : memref<1000000x32xf32, #tpu.memory_space<hbm>>) target(%arg6 : memref<50x32xf32, #tpu.memory_space<vmem>>) offsets(%dma_start3A_348 : memref<50xi32, #tpu.memory_space<vmem>>) semaphore(%arg14 : memref<!tpu.dma_semaphore, #tpu.memory_space<semaphore_mem>>)
      } else {
      }
      %mul3A_169 = arith.constant 8 : i32
      %mul3A_170 = arith.muli %scan3A_68, %mul3A_169 : i32
      %add3A_171 = arith.constant 3 : i32
      %add3A_172 = arith.addi %mul3A_170, %add3A_171 : i32
      %dma_wait3A_173 = arith.constant 0 : i32
      %dma_wait3A_174 = tpu.memref_slice %arg5[%add3A_172, %dma_wait3A_173] : memref<512x50xi32, #tpu.memory_space<vmem>> -> memref<1x50xi32, #tpu.memory_space<vmem>>
      %dma_wait3A_175 = tpu.memref_squeeze %dma_wait3A_174 : memref<1x50xi32, #tpu.memory_space<vmem>> -> memref<50xi32, #tpu.memory_space<vmem>>
      %dma_wait3A_176 = arith.constant 0 : i32
      %dma_wait3A_177 = arith.constant 0 : i32
      %dma_wait3A_178 = tpu.memref_slice %arg2[%dma_wait3A_176, %dma_wait3A_177] : memref<1000000x32xf32, #tpu.memory_space<hbm>> -> memref<1000000x32xf32, #tpu.memory_space<hbm>>
      tpu.wait_indirect_dma semaphore(%arg17 : memref<!tpu.dma_semaphore, #tpu.memory_space<semaphore_mem>>) src(%dma_wait3A_178 : memref<1000000x32xf32, #tpu.memory_space<hbm>>) dst(%arg9 : memref<50x32xf32, #tpu.memory_space<vmem>>)
      %add3A_179 = arith.addi %mul3A_2, %add3A_172 : i32
      %dma_start3A_180 = arith.constant 0 : i32
      %dma_start3A_181 = arith.constant 0 : i32
      %dma_start3A_182 = tpu.memref_slice %arg4[%add3A_179, %dma_start3A_180, %dma_start3A_181] : memref<16384x50x32xf32, #tpu.memory_space<hbm>> -> memref<1x50x32xf32, #tpu.memory_space<hbm>>
      %dma_start3A_183 = tpu.memref_squeeze %dma_start3A_182 : memref<1x50x32xf32, #tpu.memory_space<hbm>> -> memref<50x32xf32, #tpu.memory_space<hbm>>
      %dma_start3A_184 = arith.constant 0 : i32
      %dma_start3A_185 = arith.constant 0 : i32
      %dma_start3A_186 = tpu.memref_slice %arg4[%add3A_179, %dma_start3A_184, %dma_start3A_185] : memref<16384x50x32xf32, #tpu.memory_space<hbm>> -> memref<1x50x32xf32, #tpu.memory_space<hbm>>
      %dma_start3A_187 = tpu.memref_squeeze %dma_start3A_186 : memref<1x50x32xf32, #tpu.memory_space<hbm>> -> memref<50x32xf32, #tpu.memory_space<hbm>>
      tpu.enqueue_dma source(%arg9 : memref<50x32xf32, #tpu.memory_space<vmem>>) target(%dma_start3A_187 : memref<50x32xf32, #tpu.memory_space<hbm>>) target_semaphore(%arg25 : memref<!tpu.dma_semaphore, #tpu.memory_space<semaphore_mem>>)
      %add3A_188 = arith.constant 6 : i32
      %add3A_189 = arith.addi %add3A_172, %add3A_188 : i32
      %sub3A_190 = arith.constant 8 : i32
      %sub3A_191 = arith.subi %add3A_189, %sub3A_190 : i32
      %ge3A_192 = arith.constant 0 : i32
      %ge3A_193 = arith.cmpi sge, %sub3A_191, %ge3A_192 : i32
      %convert_element_type3A_194 = arith.extui %ge3A_193 : i1 to i32
      %cond3A_195 = arith.constant 0 : i32
      %cond3A_196 = arith.cmpi ne, %convert_element_type3A_194, %cond3A_195 : i32
      scf.if %cond3A_196 {
        %add3A_344 = arith.addi %mul3A_2, %add3A_172 : i32
        %add3A_345 = arith.constant 6 : i32
        %add3A_346 = arith.addi %add3A_344, %add3A_345 : i32
        %sub3A_347 = arith.constant 8 : i32
        %sub3A_348 = arith.subi %add3A_346, %sub3A_347 : i32
        %dma_wait3A_349 = arith.constant 0 : i32
        %dma_wait3A_350 = arith.constant 0 : i32
        %dma_wait3A_351 = tpu.memref_slice %arg4[%sub3A_348, %dma_wait3A_349, %dma_wait3A_350] : memref<16384x50x32xf32, #tpu.memory_space<hbm>> -> memref<1x50x32xf32, #tpu.memory_space<hbm>>
        %dma_wait3A_352 = tpu.memref_squeeze %dma_wait3A_351 : memref<1x50x32xf32, #tpu.memory_space<hbm>> -> memref<50x32xf32, #tpu.memory_space<hbm>>
        %dma_wait3A_353 = arith.constant 0 : i32
        %dma_wait3A_354 = arith.constant 0 : i32
        %dma_wait3A_355 = tpu.memref_slice %arg4[%sub3A_348, %dma_wait3A_353, %dma_wait3A_354] : memref<16384x50x32xf32, #tpu.memory_space<hbm>> -> memref<1x50x32xf32, #tpu.memory_space<hbm>>
        %dma_wait3A_356 = tpu.memref_squeeze %dma_wait3A_355 : memref<1x50x32xf32, #tpu.memory_space<hbm>> -> memref<50x32xf32, #tpu.memory_space<hbm>>
        tpu.wait_dma2 semaphore(%arg23 : memref<!tpu.dma_semaphore, #tpu.memory_space<semaphore_mem>>) src(%arg7 : memref<50x32xf32, #tpu.memory_space<vmem>>) dst(%dma_wait3A_356 : memref<50x32xf32, #tpu.memory_space<hbm>>)
      } else {
      }
      %add3A_197 = arith.constant 6 : i32
      %add3A_198 = arith.addi %add3A_172, %add3A_197 : i32
      %lt3A_199 = arith.constant 512 : i32
      %lt3A_200 = arith.cmpi slt, %add3A_198, %lt3A_199 : i32
      %convert_element_type3A_201 = arith.extui %lt3A_200 : i1 to i32
      %cond3A_202 = arith.constant 0 : i32
      %cond3A_203 = arith.cmpi ne, %convert_element_type3A_201, %cond3A_202 : i32
      scf.if %cond3A_203 {
        %add3A_344 = arith.constant 6 : i32
        %add3A_345 = arith.addi %add3A_172, %add3A_344 : i32
        %dma_start3A_346 = arith.constant 0 : i32
        %dma_start3A_347 = tpu.memref_slice %arg5[%add3A_345, %dma_start3A_346] : memref<512x50xi32, #tpu.memory_space<vmem>> -> memref<1x50xi32, #tpu.memory_space<vmem>>
        %dma_start3A_348 = tpu.memref_squeeze %dma_start3A_347 : memref<1x50xi32, #tpu.memory_space<vmem>> -> memref<50xi32, #tpu.memory_space<vmem>>
        %dma_start3A_349 = arith.constant 0 : i32
        %dma_start3A_350 = arith.constant 0 : i32
        %dma_start3A_351 = tpu.memref_slice %arg2[%dma_start3A_349, %dma_start3A_350] : memref<1000000x32xf32, #tpu.memory_space<hbm>> -> memref<1000000x32xf32, #tpu.memory_space<hbm>>
        tpu.enqueue_indirect_dma source(%dma_start3A_351 : memref<1000000x32xf32, #tpu.memory_space<hbm>>) target(%arg7 : memref<50x32xf32, #tpu.memory_space<vmem>>) offsets(%dma_start3A_348 : memref<50xi32, #tpu.memory_space<vmem>>) semaphore(%arg15 : memref<!tpu.dma_semaphore, #tpu.memory_space<semaphore_mem>>)
      } else {
      }
      %mul3A_204 = arith.constant 8 : i32
      %mul3A_205 = arith.muli %scan3A_68, %mul3A_204 : i32
      %add3A_206 = arith.constant 4 : i32
      %add3A_207 = arith.addi %mul3A_205, %add3A_206 : i32
      %dma_wait3A_208 = arith.constant 0 : i32
      %dma_wait3A_209 = tpu.memref_slice %arg5[%add3A_207, %dma_wait3A_208] : memref<512x50xi32, #tpu.memory_space<vmem>> -> memref<1x50xi32, #tpu.memory_space<vmem>>
      %dma_wait3A_210 = tpu.memref_squeeze %dma_wait3A_209 : memref<1x50xi32, #tpu.memory_space<vmem>> -> memref<50xi32, #tpu.memory_space<vmem>>
      %dma_wait3A_211 = arith.constant 0 : i32
      %dma_wait3A_212 = arith.constant 0 : i32
      %dma_wait3A_213 = tpu.memref_slice %arg2[%dma_wait3A_211, %dma_wait3A_212] : memref<1000000x32xf32, #tpu.memory_space<hbm>> -> memref<1000000x32xf32, #tpu.memory_space<hbm>>
      tpu.wait_indirect_dma semaphore(%arg18 : memref<!tpu.dma_semaphore, #tpu.memory_space<semaphore_mem>>) src(%dma_wait3A_213 : memref<1000000x32xf32, #tpu.memory_space<hbm>>) dst(%arg10 : memref<50x32xf32, #tpu.memory_space<vmem>>)
      %add3A_214 = arith.addi %mul3A_2, %add3A_207 : i32
      %dma_start3A_215 = arith.constant 0 : i32
      %dma_start3A_216 = arith.constant 0 : i32
      %dma_start3A_217 = tpu.memref_slice %arg4[%add3A_214, %dma_start3A_215, %dma_start3A_216] : memref<16384x50x32xf32, #tpu.memory_space<hbm>> -> memref<1x50x32xf32, #tpu.memory_space<hbm>>
      %dma_start3A_218 = tpu.memref_squeeze %dma_start3A_217 : memref<1x50x32xf32, #tpu.memory_space<hbm>> -> memref<50x32xf32, #tpu.memory_space<hbm>>
      %dma_start3A_219 = arith.constant 0 : i32
      %dma_start3A_220 = arith.constant 0 : i32
      %dma_start3A_221 = tpu.memref_slice %arg4[%add3A_214, %dma_start3A_219, %dma_start3A_220] : memref<16384x50x32xf32, #tpu.memory_space<hbm>> -> memref<1x50x32xf32, #tpu.memory_space<hbm>>
      %dma_start3A_222 = tpu.memref_squeeze %dma_start3A_221 : memref<1x50x32xf32, #tpu.memory_space<hbm>> -> memref<50x32xf32, #tpu.memory_space<hbm>>
      tpu.enqueue_dma source(%arg10 : memref<50x32xf32, #tpu.memory_space<vmem>>) target(%dma_start3A_222 : memref<50x32xf32, #tpu.memory_space<hbm>>) target_semaphore(%arg26 : memref<!tpu.dma_semaphore, #tpu.memory_space<semaphore_mem>>)
      %add3A_223 = arith.constant 6 : i32
      %add3A_224 = arith.addi %add3A_207, %add3A_223 : i32
      %sub3A_225 = arith.constant 8 : i32
      %sub3A_226 = arith.subi %add3A_224, %sub3A_225 : i32
      %ge3A_227 = arith.constant 0 : i32
      %ge3A_228 = arith.cmpi sge, %sub3A_226, %ge3A_227 : i32
      %convert_element_type3A_229 = arith.extui %ge3A_228 : i1 to i32
      %cond3A_230 = arith.constant 0 : i32
      %cond3A_231 = arith.cmpi ne, %convert_element_type3A_229, %cond3A_230 : i32
      scf.if %cond3A_231 {
        %add3A_344 = arith.addi %mul3A_2, %add3A_207 : i32
        %add3A_345 = arith.constant 6 : i32
        %add3A_346 = arith.addi %add3A_344, %add3A_345 : i32
        %sub3A_347 = arith.constant 8 : i32
        %sub3A_348 = arith.subi %add3A_346, %sub3A_347 : i32
        %dma_wait3A_349 = arith.constant 0 : i32
        %dma_wait3A_350 = arith.constant 0 : i32
        %dma_wait3A_351 = tpu.memref_slice %arg4[%sub3A_348, %dma_wait3A_349, %dma_wait3A_350] : memref<16384x50x32xf32, #tpu.memory_space<hbm>> -> memref<1x50x32xf32, #tpu.memory_space<hbm>>
        %dma_wait3A_352 = tpu.memref_squeeze %dma_wait3A_351 : memref<1x50x32xf32, #tpu.memory_space<hbm>> -> memref<50x32xf32, #tpu.memory_space<hbm>>
        %dma_wait3A_353 = arith.constant 0 : i32
        %dma_wait3A_354 = arith.constant 0 : i32
        %dma_wait3A_355 = tpu.memref_slice %arg4[%sub3A_348, %dma_wait3A_353, %dma_wait3A_354] : memref<16384x50x32xf32, #tpu.memory_space<hbm>> -> memref<1x50x32xf32, #tpu.memory_space<hbm>>
        %dma_wait3A_356 = tpu.memref_squeeze %dma_wait3A_355 : memref<1x50x32xf32, #tpu.memory_space<hbm>> -> memref<50x32xf32, #tpu.memory_space<hbm>>
        tpu.wait_dma2 semaphore(%arg24 : memref<!tpu.dma_semaphore, #tpu.memory_space<semaphore_mem>>) src(%arg8 : memref<50x32xf32, #tpu.memory_space<vmem>>) dst(%dma_wait3A_356 : memref<50x32xf32, #tpu.memory_space<hbm>>)
      } else {
      }
      %add3A_232 = arith.constant 6 : i32
      %add3A_233 = arith.addi %add3A_207, %add3A_232 : i32
      %lt3A_234 = arith.constant 512 : i32
      %lt3A_235 = arith.cmpi slt, %add3A_233, %lt3A_234 : i32
      %convert_element_type3A_236 = arith.extui %lt3A_235 : i1 to i32
      %cond3A_237 = arith.constant 0 : i32
      %cond3A_238 = arith.cmpi ne, %convert_element_type3A_236, %cond3A_237 : i32
      scf.if %cond3A_238 {
        %add3A_344 = arith.constant 6 : i32
        %add3A_345 = arith.addi %add3A_207, %add3A_344 : i32
        %dma_start3A_346 = arith.constant 0 : i32
        %dma_start3A_347 = tpu.memref_slice %arg5[%add3A_345, %dma_start3A_346] : memref<512x50xi32, #tpu.memory_space<vmem>> -> memref<1x50xi32, #tpu.memory_space<vmem>>
        %dma_start3A_348 = tpu.memref_squeeze %dma_start3A_347 : memref<1x50xi32, #tpu.memory_space<vmem>> -> memref<50xi32, #tpu.memory_space<vmem>>
        %dma_start3A_349 = arith.constant 0 : i32
        %dma_start3A_350 = arith.constant 0 : i32
        %dma_start3A_351 = tpu.memref_slice %arg2[%dma_start3A_349, %dma_start3A_350] : memref<1000000x32xf32, #tpu.memory_space<hbm>> -> memref<1000000x32xf32, #tpu.memory_space<hbm>>
        tpu.enqueue_indirect_dma source(%dma_start3A_351 : memref<1000000x32xf32, #tpu.memory_space<hbm>>) target(%arg8 : memref<50x32xf32, #tpu.memory_space<vmem>>) offsets(%dma_start3A_348 : memref<50xi32, #tpu.memory_space<vmem>>) semaphore(%arg16 : memref<!tpu.dma_semaphore, #tpu.memory_space<semaphore_mem>>)
      } else {
      }
      %mul3A_239 = arith.constant 8 : i32
      %mul3A_240 = arith.muli %scan3A_68, %mul3A_239 : i32
      %add3A_241 = arith.constant 5 : i32
      %add3A_242 = arith.addi %mul3A_240, %add3A_241 : i32
      %dma_wait3A_243 = arith.constant 0 : i32
      %dma_wait3A_244 = tpu.memref_slice %arg5[%add3A_242, %dma_wait3A_243] : memref<512x50xi32, #tpu.memory_space<vmem>> -> memref<1x50xi32, #tpu.memory_space<vmem>>
      %dma_wait3A_245 = tpu.memref_squeeze %dma_wait3A_244 : memref<1x50xi32, #tpu.memory_space<vmem>> -> memref<50xi32, #tpu.memory_space<vmem>>
      %dma_wait3A_246 = arith.constant 0 : i32
      %dma_wait3A_247 = arith.constant 0 : i32
      %dma_wait3A_248 = tpu.memref_slice %arg2[%dma_wait3A_246, %dma_wait3A_247] : memref<1000000x32xf32, #tpu.memory_space<hbm>> -> memref<1000000x32xf32, #tpu.memory_space<hbm>>
      tpu.wait_indirect_dma semaphore(%arg19 : memref<!tpu.dma_semaphore, #tpu.memory_space<semaphore_mem>>) src(%dma_wait3A_248 : memref<1000000x32xf32, #tpu.memory_space<hbm>>) dst(%arg11 : memref<50x32xf32, #tpu.memory_space<vmem>>)
      %add3A_249 = arith.addi %mul3A_2, %add3A_242 : i32
      %dma_start3A_250 = arith.constant 0 : i32
      %dma_start3A_251 = arith.constant 0 : i32
      %dma_start3A_252 = tpu.memref_slice %arg4[%add3A_249, %dma_start3A_250, %dma_start3A_251] : memref<16384x50x32xf32, #tpu.memory_space<hbm>> -> memref<1x50x32xf32, #tpu.memory_space<hbm>>
      %dma_start3A_253 = tpu.memref_squeeze %dma_start3A_252 : memref<1x50x32xf32, #tpu.memory_space<hbm>> -> memref<50x32xf32, #tpu.memory_space<hbm>>
      %dma_start3A_254 = arith.constant 0 : i32
      %dma_start3A_255 = arith.constant 0 : i32
      %dma_start3A_256 = tpu.memref_slice %arg4[%add3A_249, %dma_start3A_254, %dma_start3A_255] : memref<16384x50x32xf32, #tpu.memory_space<hbm>> -> memref<1x50x32xf32, #tpu.memory_space<hbm>>
      %dma_start3A_257 = tpu.memref_squeeze %dma_start3A_256 : memref<1x50x32xf32, #tpu.memory_space<hbm>> -> memref<50x32xf32, #tpu.memory_space<hbm>>
      tpu.enqueue_dma source(%arg11 : memref<50x32xf32, #tpu.memory_space<vmem>>) target(%dma_start3A_257 : memref<50x32xf32, #tpu.memory_space<hbm>>) target_semaphore(%arg27 : memref<!tpu.dma_semaphore, #tpu.memory_space<semaphore_mem>>)
      %add3A_258 = arith.constant 6 : i32
      %add3A_259 = arith.addi %add3A_242, %add3A_258 : i32
      %sub3A_260 = arith.constant 8 : i32
      %sub3A_261 = arith.subi %add3A_259, %sub3A_260 : i32
      %ge3A_262 = arith.constant 0 : i32
      %ge3A_263 = arith.cmpi sge, %sub3A_261, %ge3A_262 : i32
      %convert_element_type3A_264 = arith.extui %ge3A_263 : i1 to i32
      %cond3A_265 = arith.constant 0 : i32
      %cond3A_266 = arith.cmpi ne, %convert_element_type3A_264, %cond3A_265 : i32
      scf.if %cond3A_266 {
        %add3A_344 = arith.addi %mul3A_2, %add3A_242 : i32
        %add3A_345 = arith.constant 6 : i32
        %add3A_346 = arith.addi %add3A_344, %add3A_345 : i32
        %sub3A_347 = arith.constant 8 : i32
        %sub3A_348 = arith.subi %add3A_346, %sub3A_347 : i32
        %dma_wait3A_349 = arith.constant 0 : i32
        %dma_wait3A_350 = arith.constant 0 : i32
        %dma_wait3A_351 = tpu.memref_slice %arg4[%sub3A_348, %dma_wait3A_349, %dma_wait3A_350] : memref<16384x50x32xf32, #tpu.memory_space<hbm>> -> memref<1x50x32xf32, #tpu.memory_space<hbm>>
        %dma_wait3A_352 = tpu.memref_squeeze %dma_wait3A_351 : memref<1x50x32xf32, #tpu.memory_space<hbm>> -> memref<50x32xf32, #tpu.memory_space<hbm>>
        %dma_wait3A_353 = arith.constant 0 : i32
        %dma_wait3A_354 = arith.constant 0 : i32
        %dma_wait3A_355 = tpu.memref_slice %arg4[%sub3A_348, %dma_wait3A_353, %dma_wait3A_354] : memref<16384x50x32xf32, #tpu.memory_space<hbm>> -> memref<1x50x32xf32, #tpu.memory_space<hbm>>
        %dma_wait3A_356 = tpu.memref_squeeze %dma_wait3A_355 : memref<1x50x32xf32, #tpu.memory_space<hbm>> -> memref<50x32xf32, #tpu.memory_space<hbm>>
        tpu.wait_dma2 semaphore(%arg25 : memref<!tpu.dma_semaphore, #tpu.memory_space<semaphore_mem>>) src(%arg9 : memref<50x32xf32, #tpu.memory_space<vmem>>) dst(%dma_wait3A_356 : memref<50x32xf32, #tpu.memory_space<hbm>>)
      } else {
      }
      %add3A_267 = arith.constant 6 : i32
      %add3A_268 = arith.addi %add3A_242, %add3A_267 : i32
      %lt3A_269 = arith.constant 512 : i32
      %lt3A_270 = arith.cmpi slt, %add3A_268, %lt3A_269 : i32
      %convert_element_type3A_271 = arith.extui %lt3A_270 : i1 to i32
      %cond3A_272 = arith.constant 0 : i32
      %cond3A_273 = arith.cmpi ne, %convert_element_type3A_271, %cond3A_272 : i32
      scf.if %cond3A_273 {
        %add3A_344 = arith.constant 6 : i32
        %add3A_345 = arith.addi %add3A_242, %add3A_344 : i32
        %dma_start3A_346 = arith.constant 0 : i32
        %dma_start3A_347 = tpu.memref_slice %arg5[%add3A_345, %dma_start3A_346] : memref<512x50xi32, #tpu.memory_space<vmem>> -> memref<1x50xi32, #tpu.memory_space<vmem>>
        %dma_start3A_348 = tpu.memref_squeeze %dma_start3A_347 : memref<1x50xi32, #tpu.memory_space<vmem>> -> memref<50xi32, #tpu.memory_space<vmem>>
        %dma_start3A_349 = arith.constant 0 : i32
        %dma_start3A_350 = arith.constant 0 : i32
        %dma_start3A_351 = tpu.memref_slice %arg2[%dma_start3A_349, %dma_start3A_350] : memref<1000000x32xf32, #tpu.memory_space<hbm>> -> memref<1000000x32xf32, #tpu.memory_space<hbm>>
        tpu.enqueue_indirect_dma source(%dma_start3A_351 : memref<1000000x32xf32, #tpu.memory_space<hbm>>) target(%arg9 : memref<50x32xf32, #tpu.memory_space<vmem>>) offsets(%dma_start3A_348 : memref<50xi32, #tpu.memory_space<vmem>>) semaphore(%arg17 : memref<!tpu.dma_semaphore, #tpu.memory_space<semaphore_mem>>)
      } else {
      }
      %mul3A_274 = arith.constant 8 : i32
      %mul3A_275 = arith.muli %scan3A_68, %mul3A_274 : i32
      %add3A_276 = arith.constant 6 : i32
      %add3A_277 = arith.addi %mul3A_275, %add3A_276 : i32
      %dma_wait3A_278 = arith.constant 0 : i32
      %dma_wait3A_279 = tpu.memref_slice %arg5[%add3A_277, %dma_wait3A_278] : memref<512x50xi32, #tpu.memory_space<vmem>> -> memref<1x50xi32, #tpu.memory_space<vmem>>
      %dma_wait3A_280 = tpu.memref_squeeze %dma_wait3A_279 : memref<1x50xi32, #tpu.memory_space<vmem>> -> memref<50xi32, #tpu.memory_space<vmem>>
      %dma_wait3A_281 = arith.constant 0 : i32
      %dma_wait3A_282 = arith.constant 0 : i32
      %dma_wait3A_283 = tpu.memref_slice %arg2[%dma_wait3A_281, %dma_wait3A_282] : memref<1000000x32xf32, #tpu.memory_space<hbm>> -> memref<1000000x32xf32, #tpu.memory_space<hbm>>
      tpu.wait_indirect_dma semaphore(%arg20 : memref<!tpu.dma_semaphore, #tpu.memory_space<semaphore_mem>>) src(%dma_wait3A_283 : memref<1000000x32xf32, #tpu.memory_space<hbm>>) dst(%arg12 : memref<50x32xf32, #tpu.memory_space<vmem>>)
      %add3A_284 = arith.addi %mul3A_2, %add3A_277 : i32
      %dma_start3A_285 = arith.constant 0 : i32
      %dma_start3A_286 = arith.constant 0 : i32
      %dma_start3A_287 = tpu.memref_slice %arg4[%add3A_284, %dma_start3A_285, %dma_start3A_286] : memref<16384x50x32xf32, #tpu.memory_space<hbm>> -> memref<1x50x32xf32, #tpu.memory_space<hbm>>
      %dma_start3A_288 = tpu.memref_squeeze %dma_start3A_287 : memref<1x50x32xf32, #tpu.memory_space<hbm>> -> memref<50x32xf32, #tpu.memory_space<hbm>>
      %dma_start3A_289 = arith.constant 0 : i32
      %dma_start3A_290 = arith.constant 0 : i32
      %dma_start3A_291 = tpu.memref_slice %arg4[%add3A_284, %dma_start3A_289, %dma_start3A_290] : memref<16384x50x32xf32, #tpu.memory_space<hbm>> -> memref<1x50x32xf32, #tpu.memory_space<hbm>>
      %dma_start3A_292 = tpu.memref_squeeze %dma_start3A_291 : memref<1x50x32xf32, #tpu.memory_space<hbm>> -> memref<50x32xf32, #tpu.memory_space<hbm>>
      tpu.enqueue_dma source(%arg12 : memref<50x32xf32, #tpu.memory_space<vmem>>) target(%dma_start3A_292 : memref<50x32xf32, #tpu.memory_space<hbm>>) target_semaphore(%arg28 : memref<!tpu.dma_semaphore, #tpu.memory_space<semaphore_mem>>)
      %add3A_293 = arith.constant 6 : i32
      %add3A_294 = arith.addi %add3A_277, %add3A_293 : i32
      %sub3A_295 = arith.constant 8 : i32
      %sub3A_296 = arith.subi %add3A_294, %sub3A_295 : i32
      %ge3A_297 = arith.constant 0 : i32
      %ge3A_298 = arith.cmpi sge, %sub3A_296, %ge3A_297 : i32
      %convert_element_type3A_299 = arith.extui %ge3A_298 : i1 to i32
      %cond3A_300 = arith.constant 0 : i32
      %cond3A_301 = arith.cmpi ne, %convert_element_type3A_299, %cond3A_300 : i32
      scf.if %cond3A_301 {
        %add3A_344 = arith.addi %mul3A_2, %add3A_277 : i32
        %add3A_345 = arith.constant 6 : i32
        %add3A_346 = arith.addi %add3A_344, %add3A_345 : i32
        %sub3A_347 = arith.constant 8 : i32
        %sub3A_348 = arith.subi %add3A_346, %sub3A_347 : i32
        %dma_wait3A_349 = arith.constant 0 : i32
        %dma_wait3A_350 = arith.constant 0 : i32
        %dma_wait3A_351 = tpu.memref_slice %arg4[%sub3A_348, %dma_wait3A_349, %dma_wait3A_350] : memref<16384x50x32xf32, #tpu.memory_space<hbm>> -> memref<1x50x32xf32, #tpu.memory_space<hbm>>
        %dma_wait3A_352 = tpu.memref_squeeze %dma_wait3A_351 : memref<1x50x32xf32, #tpu.memory_space<hbm>> -> memref<50x32xf32, #tpu.memory_space<hbm>>
        %dma_wait3A_353 = arith.constant 0 : i32
        %dma_wait3A_354 = arith.constant 0 : i32
        %dma_wait3A_355 = tpu.memref_slice %arg4[%sub3A_348, %dma_wait3A_353, %dma_wait3A_354] : memref<16384x50x32xf32, #tpu.memory_space<hbm>> -> memref<1x50x32xf32, #tpu.memory_space<hbm>>
        %dma_wait3A_356 = tpu.memref_squeeze %dma_wait3A_355 : memref<1x50x32xf32, #tpu.memory_space<hbm>> -> memref<50x32xf32, #tpu.memory_space<hbm>>
        tpu.wait_dma2 semaphore(%arg26 : memref<!tpu.dma_semaphore, #tpu.memory_space<semaphore_mem>>) src(%arg10 : memref<50x32xf32, #tpu.memory_space<vmem>>) dst(%dma_wait3A_356 : memref<50x32xf32, #tpu.memory_space<hbm>>)
      } else {
      }
      %add3A_302 = arith.constant 6 : i32
      %add3A_303 = arith.addi %add3A_277, %add3A_302 : i32
      %lt3A_304 = arith.constant 512 : i32
      %lt3A_305 = arith.cmpi slt, %add3A_303, %lt3A_304 : i32
      %convert_element_type3A_306 = arith.extui %lt3A_305 : i1 to i32
      %cond3A_307 = arith.constant 0 : i32
      %cond3A_308 = arith.cmpi ne, %convert_element_type3A_306, %cond3A_307 : i32
      scf.if %cond3A_308 {
        %add3A_344 = arith.constant 6 : i32
        %add3A_345 = arith.addi %add3A_277, %add3A_344 : i32
        %dma_start3A_346 = arith.constant 0 : i32
        %dma_start3A_347 = tpu.memref_slice %arg5[%add3A_345, %dma_start3A_346] : memref<512x50xi32, #tpu.memory_space<vmem>> -> memref<1x50xi32, #tpu.memory_space<vmem>>
        %dma_start3A_348 = tpu.memref_squeeze %dma_start3A_347 : memref<1x50xi32, #tpu.memory_space<vmem>> -> memref<50xi32, #tpu.memory_space<vmem>>
        %dma_start3A_349 = arith.constant 0 : i32
        %dma_start3A_350 = arith.constant 0 : i32
        %dma_start3A_351 = tpu.memref_slice %arg2[%dma_start3A_349, %dma_start3A_350] : memref<1000000x32xf32, #tpu.memory_space<hbm>> -> memref<1000000x32xf32, #tpu.memory_space<hbm>>
        tpu.enqueue_indirect_dma source(%dma_start3A_351 : memref<1000000x32xf32, #tpu.memory_space<hbm>>) target(%arg10 : memref<50x32xf32, #tpu.memory_space<vmem>>) offsets(%dma_start3A_348 : memref<50xi32, #tpu.memory_space<vmem>>) semaphore(%arg18 : memref<!tpu.dma_semaphore, #tpu.memory_space<semaphore_mem>>)
      } else {
      }
      %mul3A_309 = arith.constant 8 : i32
      %mul3A_310 = arith.muli %scan3A_68, %mul3A_309 : i32
      %add3A_311 = arith.constant 7 : i32
      %add3A_312 = arith.addi %mul3A_310, %add3A_311 : i32
      %dma_wait3A_313 = arith.constant 0 : i32
      %dma_wait3A_314 = tpu.memref_slice %arg5[%add3A_312, %dma_wait3A_313] : memref<512x50xi32, #tpu.memory_space<vmem>> -> memref<1x50xi32, #tpu.memory_space<vmem>>
      %dma_wait3A_315 = tpu.memref_squeeze %dma_wait3A_314 : memref<1x50xi32, #tpu.memory_space<vmem>> -> memref<50xi32, #tpu.memory_space<vmem>>
      %dma_wait3A_316 = arith.constant 0 : i32
      %dma_wait3A_317 = arith.constant 0 : i32
      %dma_wait3A_318 = tpu.memref_slice %arg2[%dma_wait3A_316, %dma_wait3A_317] : memref<1000000x32xf32, #tpu.memory_space<hbm>> -> memref<1000000x32xf32, #tpu.memory_space<hbm>>
      tpu.wait_indirect_dma semaphore(%arg21 : memref<!tpu.dma_semaphore, #tpu.memory_space<semaphore_mem>>) src(%dma_wait3A_318 : memref<1000000x32xf32, #tpu.memory_space<hbm>>) dst(%arg13 : memref<50x32xf32, #tpu.memory_space<vmem>>)
      %add3A_319 = arith.addi %mul3A_2, %add3A_312 : i32
      %dma_start3A_320 = arith.constant 0 : i32
      %dma_start3A_321 = arith.constant 0 : i32
      %dma_start3A_322 = tpu.memref_slice %arg4[%add3A_319, %dma_start3A_320, %dma_start3A_321] : memref<16384x50x32xf32, #tpu.memory_space<hbm>> -> memref<1x50x32xf32, #tpu.memory_space<hbm>>
      %dma_start3A_323 = tpu.memref_squeeze %dma_start3A_322 : memref<1x50x32xf32, #tpu.memory_space<hbm>> -> memref<50x32xf32, #tpu.memory_space<hbm>>
      %dma_start3A_324 = arith.constant 0 : i32
      %dma_start3A_325 = arith.constant 0 : i32
      %dma_start3A_326 = tpu.memref_slice %arg4[%add3A_319, %dma_start3A_324, %dma_start3A_325] : memref<16384x50x32xf32, #tpu.memory_space<hbm>> -> memref<1x50x32xf32, #tpu.memory_space<hbm>>
      %dma_start3A_327 = tpu.memref_squeeze %dma_start3A_326 : memref<1x50x32xf32, #tpu.memory_space<hbm>> -> memref<50x32xf32, #tpu.memory_space<hbm>>
      tpu.enqueue_dma source(%arg13 : memref<50x32xf32, #tpu.memory_space<vmem>>) target(%dma_start3A_327 : memref<50x32xf32, #tpu.memory_space<hbm>>) target_semaphore(%arg29 : memref<!tpu.dma_semaphore, #tpu.memory_space<semaphore_mem>>)
      %add3A_328 = arith.constant 6 : i32
      %add3A_329 = arith.addi %add3A_312, %add3A_328 : i32
      %sub3A_330 = arith.constant 8 : i32
      %sub3A_331 = arith.subi %add3A_329, %sub3A_330 : i32
      %ge3A_332 = arith.constant 0 : i32
      %ge3A_333 = arith.cmpi sge, %sub3A_331, %ge3A_332 : i32
      %convert_element_type3A_334 = arith.extui %ge3A_333 : i1 to i32
      %cond3A_335 = arith.constant 0 : i32
      %cond3A_336 = arith.cmpi ne, %convert_element_type3A_334, %cond3A_335 : i32
      scf.if %cond3A_336 {
        %add3A_344 = arith.addi %mul3A_2, %add3A_312 : i32
        %add3A_345 = arith.constant 6 : i32
        %add3A_346 = arith.addi %add3A_344, %add3A_345 : i32
        %sub3A_347 = arith.constant 8 : i32
        %sub3A_348 = arith.subi %add3A_346, %sub3A_347 : i32
        %dma_wait3A_349 = arith.constant 0 : i32
        %dma_wait3A_350 = arith.constant 0 : i32
        %dma_wait3A_351 = tpu.memref_slice %arg4[%sub3A_348, %dma_wait3A_349, %dma_wait3A_350] : memref<16384x50x32xf32, #tpu.memory_space<hbm>> -> memref<1x50x32xf32, #tpu.memory_space<hbm>>
        %dma_wait3A_352 = tpu.memref_squeeze %dma_wait3A_351 : memref<1x50x32xf32, #tpu.memory_space<hbm>> -> memref<50x32xf32, #tpu.memory_space<hbm>>
        %dma_wait3A_353 = arith.constant 0 : i32
        %dma_wait3A_354 = arith.constant 0 : i32
        %dma_wait3A_355 = tpu.memref_slice %arg4[%sub3A_348, %dma_wait3A_353, %dma_wait3A_354] : memref<16384x50x32xf32, #tpu.memory_space<hbm>> -> memref<1x50x32xf32, #tpu.memory_space<hbm>>
        %dma_wait3A_356 = tpu.memref_squeeze %dma_wait3A_355 : memref<1x50x32xf32, #tpu.memory_space<hbm>> -> memref<50x32xf32, #tpu.memory_space<hbm>>
        tpu.wait_dma2 semaphore(%arg27 : memref<!tpu.dma_semaphore, #tpu.memory_space<semaphore_mem>>) src(%arg11 : memref<50x32xf32, #tpu.memory_space<vmem>>) dst(%dma_wait3A_356 : memref<50x32xf32, #tpu.memory_space<hbm>>)
      } else {
      }
      %add3A_337 = arith.constant 6 : i32
      %add3A_338 = arith.addi %add3A_312, %add3A_337 : i32
      %lt3A_339 = arith.constant 512 : i32
      %lt3A_340 = arith.cmpi slt, %add3A_338, %lt3A_339 : i32
      %convert_element_type3A_341 = arith.extui %lt3A_340 : i1 to i32
      %cond3A_342 = arith.constant 0 : i32
      %cond3A_343 = arith.cmpi ne, %convert_element_type3A_341, %cond3A_342 : i32
      scf.if %cond3A_343 {
        %add3A_344 = arith.constant 6 : i32
        %add3A_345 = arith.addi %add3A_312, %add3A_344 : i32
        %dma_start3A_346 = arith.constant 0 : i32
        %dma_start3A_347 = tpu.memref_slice %arg5[%add3A_345, %dma_start3A_346] : memref<512x50xi32, #tpu.memory_space<vmem>> -> memref<1x50xi32, #tpu.memory_space<vmem>>
        %dma_start3A_348 = tpu.memref_squeeze %dma_start3A_347 : memref<1x50xi32, #tpu.memory_space<vmem>> -> memref<50xi32, #tpu.memory_space<vmem>>
        %dma_start3A_349 = arith.constant 0 : i32
        %dma_start3A_350 = arith.constant 0 : i32
        %dma_start3A_351 = tpu.memref_slice %arg2[%dma_start3A_349, %dma_start3A_350] : memref<1000000x32xf32, #tpu.memory_space<hbm>> -> memref<1000000x32xf32, #tpu.memory_space<hbm>>
        tpu.enqueue_indirect_dma source(%dma_start3A_351 : memref<1000000x32xf32, #tpu.memory_space<hbm>>) target(%arg11 : memref<50x32xf32, #tpu.memory_space<vmem>>) offsets(%dma_start3A_348 : memref<50xi32, #tpu.memory_space<vmem>>) semaphore(%arg19 : memref<!tpu.dma_semaphore, #tpu.memory_space<semaphore_mem>>)
      } else {
      }
    }
    %scan3A_48 = arith.constant 64 : i32
    %add3A_49 = arith.constant 510 : i32
    %add3A_50 = arith.addi %mul3A_2, %add3A_49 : i32
    %dma_wait3A = arith.constant 0 : i32
    %dma_wait3A_51 = arith.constant 0 : i32
    %dma_wait3A_52 = tpu.memref_slice %arg4[%add3A_50, %dma_wait3A, %dma_wait3A_51] : memref<16384x50x32xf32, #tpu.memory_space<hbm>> -> memref<1x50x32xf32, #tpu.memory_space<hbm>>
    %dma_wait3A_53 = tpu.memref_squeeze %dma_wait3A_52 : memref<1x50x32xf32, #tpu.memory_space<hbm>> -> memref<50x32xf32, #tpu.memory_space<hbm>>
    %dma_wait3A_54 = arith.constant 0 : i32
    %dma_wait3A_55 = arith.constant 0 : i32
    %dma_wait3A_56 = tpu.memref_slice %arg4[%add3A_50, %dma_wait3A_54, %dma_wait3A_55] : memref<16384x50x32xf32, #tpu.memory_space<hbm>> -> memref<1x50x32xf32, #tpu.memory_space<hbm>>
    %dma_wait3A_57 = tpu.memref_squeeze %dma_wait3A_56 : memref<1x50x32xf32, #tpu.memory_space<hbm>> -> memref<50x32xf32, #tpu.memory_space<hbm>>
    tpu.wait_dma2 semaphore(%arg28 : memref<!tpu.dma_semaphore, #tpu.memory_space<semaphore_mem>>) src(%arg12 : memref<50x32xf32, #tpu.memory_space<vmem>>) dst(%dma_wait3A_57 : memref<50x32xf32, #tpu.memory_space<hbm>>)
    %add3A_58 = arith.constant 511 : i32
    %add3A_59 = arith.addi %mul3A_2, %add3A_58 : i32
    %dma_wait3A_60 = arith.constant 0 : i32
    %dma_wait3A_61 = arith.constant 0 : i32
    %dma_wait3A_62 = tpu.memref_slice %arg4[%add3A_59, %dma_wait3A_60, %dma_wait3A_61] : memref<16384x50x32xf32, #tpu.memory_space<hbm>> -> memref<1x50x32xf32, #tpu.memory_space<hbm>>
    %dma_wait3A_63 = tpu.memref_squeeze %dma_wait3A_62 : memref<1x50x32xf32, #tpu.memory_space<hbm>> -> memref<50x32xf32, #tpu.memory_space<hbm>>
    %dma_wait3A_64 = arith.constant 0 : i32
    %dma_wait3A_65 = arith.constant 0 : i32
    %dma_wait3A_66 = tpu.memref_slice %arg4[%add3A_59, %dma_wait3A_64, %dma_wait3A_65] : memref<16384x50x32xf32, #tpu.memory_space<hbm>> -> memref<1x50x32xf32, #tpu.memory_space<hbm>>
    %dma_wait3A_67 = tpu.memref_squeeze %dma_wait3A_66 : memref<1x50x32xf32, #tpu.memory_space<hbm>> -> memref<50x32xf32, #tpu.memory_space<hbm>>
    tpu.wait_dma2 semaphore(%arg29 : memref<!tpu.dma_semaphore, #tpu.memory_space<semaphore_mem>>) src(%arg13 : memref<50x32xf32, #tpu.memory_space<vmem>>) dst(%dma_wait3A_67 : memref<50x32xf32, #tpu.memory_space<hbm>>)
    return
  }
}

</mosaic_0001>

<sc_bundles>
// kernel: kernel.3.cloned.1.call-start
scs
__scs_entry_jumppad:
0x0: {  	(pc) =	sbr.rel $0x88, $3  }
0x1: {  	(tag) =	ssettag $0x0;
	lr =	simm.s32 $0x1  }
0x2: {  	[smem:$0x3F9F] =	sst lr;
	_ =	strace $0xD0000000  }
0x3: {  	_ = 	snop  }
0x4: {  	_ = 	snop  }
0x5: {  	_ = 	snop  }
0x6: {  	_ = 	snop  }
0x7: {  	_ = 	snop  }
__scs_overlays_trampoline_lowered:
0x8: {  	[smem:$0x3FAE] =	sst s0  }
0x9: {  	[smem:$0x3FAF] =	sst s1  }
0xa: {  	[smem:$0x3FB0] =	sst s2  }
0xb: {  	[smem:$0x3FB1] =	sst s3  }
0xc: {  	[smem:$0x3FB2] =	sst s4  }
0xd: {  	[smem:$0x3FB3] =	sst s5  }
0xe: {  	[smem:$0x3FB4] =	sst s6  }
0xf: {  	[smem:$0x3FB5] =	sst s7  }
0x10: {  	[smem:$0x3FB6] =	sst s8  }
0x11: {  	[smem:$0x3FB7] =	sst s9;
	s0 =	simm.s32 @!p0 $0x0  }
0x12: {  	s1 =	sld [smem:$0x3F9D];
	s0 =	simm.s32 @p0 $0x1  }
0x13: {  	[smem:$0x3FB8] =	sst s0;
	s0 =	simm.s32 @!p1 $0x0  }
0x14: {  	s2 =	sld [smem:$0x3F9C];
	s0 =	simm.s32 @p1 $0x1  }
0x15: {  	[smem:$0x3FB9] =	sst s0;
	s0 =	simm.s32 @!p2 $0x0  }
0x16: {  	s3 =	sld [smem:$0x3FDB];
	s0 =	simm.s32 @p2 $0x1  }
0x17: {  	s4 =	simm.s32 $0x1BF5;
	[smem:$0x3FBB] =	sst s0  }
0x18: {  	s0 =	sld [smem:$0x3F9E];
	_ =	swait.ge [sflag:s4], $0x0  }
0x19: {  	s7 =	sld [smem:$0x3F9F]  }
0x1a: {  	s8 =	sadd.s32 $0xFFFFE003, lr  }
0x1b: {  	s9 =	sadd.s32 $0xFFFFFEF7, lr;
	s5 =	simm.s32 $0xFFFFFFFF;
	p2 =	slt.u32 s8, $0xFFFFF086  }
0x1c: {  	p1 =	slt.u32 s9, $0xF7A;
	s5 =	simm.s32 @!p2 $0x0  }
0x1d: {  	s5 =	simm.s32 @p1 $0x1;
	p0 =	seq.s32 s7, s2  }
0x1e: {  	s7 =	smul.u32 @!p0 $0xF7A, s2;
	p2 =	seq.s32 @!p0 s5, $0x0  }
0x1f: {  	s9 =	smul.u32 $0xF7A, s1;
	s8 =	simm.s32 @!p0 $0x1BF5;
	p2 =	por !p2, p0  }
0x20: {  	[sflag:s8] =	ssyncset.s32 @!p0 $0xFFFFF086;
	s6 =	sadd.s32 @!p0 s3, s7;
	s7 =	simm.s32 @!p0 $0x108  }
0x21: {  	s3 =	sadd.s32 s3, s9;
	s6 =	sadd.s32 @!p0 $0x88, s6;
	s7 =	simm.s32 @p2 $0x1082  }
0x22: {  	[simem:s7], [sflag:s8] =	dma.local @!p0 [hbm:s6], $0xF7A  }
0x23: {  	s9 =	sor.u32 $0xD0000000, s2;
	s6 =	simm.s32 $0x108;
	_ =	swait.ge @!p0 [sflag:s8], $0x0  }
0x24: {  	s3 =	sadd.s32 $0x88, s3;
	s6 =	simm.s32 @!p1 $0x1082;
	[sflag:s4] =	ssyncset.s32 $0xFFFFF086  }
0x25: {  	[simem:s6], [sflag:s4] =	dma.local [hbm:s3], $0xF7A  }
0x26: {  	[smem:$0x3F9F] =	sst s1;
	(tag) =	ssettag s2;
	_ =	strace s9  }
0x27: {  	s1 =	sld [smem:$0x3FAF]  }
0x28: {  	s2 =	sld [smem:$0x3FB0]  }
0x29: {  	s4 =	sld [smem:$0x3FB2]  }
0x2a: {  	p0 =	seq.s32 s5, $0x0;
	s5 =	sld [smem:$0x3FB3]  }
0x2b: {  	s6 =	sld [smem:$0x3FB4]  }
0x2c: {  	s7 =	sld [smem:$0x3FB5]  }
0x2d: {  	s3 =	simm.s32 $0x108;
	s8 =	sld [smem:$0x3FB6]  }
0x2e: {  	s3 =	simm.s32 @!p0 $0x1082;
	s9 =	sld [smem:$0x3FB7]  }
0x2f: {  	lr =	sadd.s32 s0, s3;
	s0 =	sld [smem:$0x3FAE]  }
0x30: {  	s3 =	sld [smem:$0x3FB1]  }
0x31: {  	[smem:$0x3FBA] =	sst s10  }
0x32: {  	s10 =	sld [smem:$0x3FB8];
	_ =	sdelay $0x3  }
0x33: {  	p0 =	seq.s32 s10, $0x1;
	s10 =	sld [smem:$0x3FBA];
	_ =	sdelay $0x3  }
0x34: {  	[smem:$0x3FBA] =	sst s10  }
0x35: {  	s10 =	sld [smem:$0x3FB9];
	_ =	sdelay $0x3  }
0x36: {  	p1 =	seq.s32 s10, $0x1;
	s10 =	sld [smem:$0x3FBA];
	_ =	sdelay $0x3  }
0x37: {  	[smem:$0x3FBA] =	sst s10  }
0x38: {  	s10 =	sld [smem:$0x3FBB]  }
0x39: {  	_ = 	snop;
	(pc) =	sbr.ind lr, $3  }
0x3a: {  	_ = 	snop  }
0x3b: {  	_ = 	snop  }
0x3c: {  	p2 =	seq.s32 s10, $0x1;
	s10 =	sld [smem:$0x3FBA]  }
0x3d: {  	_ =	shalt  }
0x3e: {  	_ =	shalt  }
0x3f: {  	_ =	shalt  }
0x40: {  	_ =	shalt  }
0x41: {  	_ =	shalt  }
0x42: {  	_ =	shalt  }
0x43: {  	_ =	shalt  }
0x44: {  	_ =	shalt  }
0x45: {  	_ =	shalt  }
0x46: {  	_ =	shalt  }
0x47: {  	_ =	shalt  }
0x48: {  	_ =	shalt  }
0x49: {  	_ =	shalt  }
0x4a: {  	_ =	shalt  }
0x4b: {  	_ =	shalt  }
0x4c: {  	_ =	shalt  }
0x4d: {  	_ =	shalt  }
0x4e: {  	_ =	shalt  }
0x4f: {  	_ =	shalt  }
0x50: {  	_ =	shalt  }
0x51: {  	_ =	shalt  }
0x52: {  	_ =	shalt  }
0x53: {  	_ =	shalt  }
0x54: {  	_ =	shalt  }
0x55: {  	_ =	shalt  }
0x56: {  	_ =	shalt  }
0x57: {  	_ =	shalt  }
0x58: {  	_ =	shalt  }
0x59: {  	_ =	shalt  }
0x5a: {  	_ =	shalt  }
0x5b: {  	_ =	shalt  }
0x5c: {  	_ =	shalt  }
0x5d: {  	_ =	shalt  }
0x5e: {  	_ =	shalt  }
0x5f: {  	_ =	shalt  }
0x60: {  	_ =	shalt  }
0x61: {  	_ =	shalt  }
0x62: {  	_ =	shalt  }
0x63: {  	_ =	shalt  }
0x64: {  	_ =	shalt  }
0x65: {  	_ =	shalt  }
0x66: {  	_ =	shalt  }
0x67: {  	_ =	shalt  }
0x68: {  	_ =	shalt  }
0x69: {  	_ =	shalt  }
0x6a: {  	_ =	shalt  }
0x6b: {  	_ =	shalt  }
0x6c: {  	_ =	shalt  }
0x6d: {  	_ =	shalt  }
0x6e: {  	_ =	shalt  }
0x6f: {  	_ =	shalt  }
0x70: {  	_ =	shalt  }
0x71: {  	_ =	shalt  }
0x72: {  	_ =	shalt  }
0x73: {  	_ =	shalt  }
0x74: {  	_ =	shalt  }
0x75: {  	_ =	shalt  }
0x76: {  	_ =	shalt  }
0x77: {  	_ =	shalt  }
0x78: {  	_ =	shalt  }
0x79: {  	_ =	shalt  }
0x7a: {  	_ =	shalt  }
0x7b: {  	_ =	shalt  }
0x7c: {  	_ =	shalt  }
0x7d: {  	_ =	shalt  }
0x7e: {  	_ =	shalt  }
0x7f: {  	_ =	shalt  }
0x80: {  	_ =	shalt  }
0x81: {  	_ =	shalt  }
0x82: {  	_ =	shalt  }
0x83: {  	_ =	shalt  }
0x84: {  	_ =	shalt  }
0x85: {  	_ =	shalt  }
0x86: {  	_ =	shalt  }
0x87: {  	_ =	shalt  }
.Lfunc_end0:
.L_simem_size_0:
called_computation.1_lowered:
.L_overlay_start_0:
0x88: {  	s2 =	sld [smem:$0x3FD9]  }
0x89: {  	s3 =	sld [smem:$0x3FFE];
	_ =	sdelay $0x1  }
0x8a: {  	s1 =	srdreg.scid  }
0x8b: {  	s0 =	sand.u32 $0x1, s1  }
0x8c: {  	s17 =	sshll.u32 s0, $0xA;
	s2 =	sadd.s32 s3, s2  }
0x8d: {  	s2 =	sadd.s32 s2, s17  }
0x8e: {  	[smem:$0x3FC6] =	sst s2  }
0x8f: {  	_ = 	snop  }
0x90: {  	s2 =	sld [smem:$0x3FD0];
	(tm) =	ssettm $0x1  }
0x91: {  	s18 =	sld [smem:$0x3FFB];
	_ =	sdelay $0x3  }
0x92: {  	_ =	strace s18  }
0x93: {  	s3 =	sld [smem:$0x3FFC];
	_ =	sdelay $0x3  }
0x94: {  	_ =	strace s3  }
0x95: {  	s3 =	sld [smem:$0x3FFD];
	_ =	sdelay $0x3  }
0x96: {  	_ =	strace s3  }
0x97: {  	_ =	strace $0x8FFFFFFF  }
0x98: {  	s19 =	sld [smem:$0x3FDB];
	_ =	sdelay $0x1  }
0x99: {  	s4 =	simm.s32 $_scs_section_size  }
0x9a: {  	s5 =	simm.s32 $_size__tile_overlayer_lowered;
	s6 =	simm.s32 $_tile_overlayer_lowered  }
0x9b: {  	s22 =	simm.s32 $0x1BFF;
	s21 =	sshll.u32 s6, $0x1;
	s3 =	sadd.s32 s4, s19  }
0x9c: {  	s7 =	simm.s32 $0x0;
	s20 =	sshll.u32 s5, $0x1;
	s5 =	sadd.s32 s21, s3  }
0x9d: {  	[timem:s7], [sflag:s22] =	dma.local [hbm:s5], s20  }
0x9e: {  	_ =	swait.ge [sflag:s22], s20  }
0x9f: {  	s4 =	ssub.s32 $0x0, s20;
	[sflag:s22] =	ssyncset.done $0x0  }
0xa0: {  	[sflag:s22] =	ssyncadd.s32 s4;
	_ =	sdelay $0x1  }
0xa1: {  	s23 =	simm.s32 $0x1B8B  }
0xa2: {  	_ =	swait.ge [sflag:s23], $0x1  }
0xa3: {  	[sflag:s23] =	ssyncset.done $0x0  }
0xa4: {  	s25 =	simm.s32 $0x1B8E;
	s24 =	sld [smem:$0x3FFE];
	[sflag:s23] =	ssyncadd.s32 $0xFFFFFFFF  }
0xa5: {  	s26 =	simm.s32 $execute0_lowered;
	[smem:$0x3FD2] =	sst s25  }
0xa6: {  	s5 =	sshll.u32 s26, $0x1;
	_ =	strace $0x80000046;
	[dreg:$0x1] =	wrdreg $0xFFFFFFFF  }
0xa7: {  	s28 =	simm.s32 $_size_execute0_lowered;
	s3 =	sadd.s32 s3, s5;
	[dreg:$0x0] =	wrdreg $0x0  }
0xa8: {  	s5 =	sshll.u32 s28, $0x1;
	[dreg:$0x2] =	wrdreg s3  }
0xa9: {  	[dreg:$0x3] =	wrdreg s5  }
0xaa: {  	[dreg:$0x4] =	wrdreg $0xC0  }
0xab: {  	_ =	task [dreg:s7], $0x5FFFF  }
0xac: {  	[dreg:$0x1] =	wrdreg $0xFFFFFFFF  }
0xad: {  	[dreg:$0x0] =	wrdreg $0x60  }
0xae: {  	[dreg:$0x2] =	wrdreg s24  }
0xaf: {  	[dreg:$0x3] =	wrdreg s2  }
0xb0: {  	[dreg:$0x4] =	wrdreg $0x9  }
0xb1: {  	_ =	task.clear_ibuf [dreg:s7], $0x5FFFF;
	_ =	strace $0x90000046  }
0xb2: {  	s29 =	simm.s32 $0x9;
	_ =	strace $0x80000048  }
0xb3: {  	_ =	swait.ge [sflag:s29], $0x1  }
0xb4: {  	[sflag:s29] =	ssyncadd.s32 $0xFFFFFFFF  }
0xb5: {  	_ =	strace $0x90000048  }
0xb6: {  	_ =	sfence  }
0xb7: {  	s30 =	sld [smem:$0x0];
	_ =	sdelay $0x2  }
0xb8: {  	s31 =	sshll.u32 s1, $0xD;
	s1 =	sshrl.u32 s1, $0x2  }
0xb9: {  	s3 =	sand.u32 $0x4000, s31;
	s1 =	sadd.s32 s1, s30  }
0xba: {  	s0 =	sor.u32 s3, s0;
	s1 =	sshll.u32 s1, $0x11  }
0xbb: {  	s0 =	sor.u32 s1, s0  }
0xbc: {  	s0 =	sadd.s32 $0x8F2B, s0  }
0xbd: {  	[sflag:s0] =	ssyncadd.remote.s32 $0x1  }
0xbe: {  	_ =	sfence.sel $0xFFFF  }
0xbf: {  	[dreg:$0x0] =	wrdreg $0xFFFFFFFF;
	(pc) =	sbr.abs _section_cstart, $3  }
0xc0: {  	[dreg:$0x1] =	wrdreg $0xFFFFFFFF  }
0xc1: {  	_ =	task.clear_ibuf [dreg:s7], $0x2FFFF;
	_ =	strace $0x9FFFFFFF  }
0xc2: {  	(tm) =	ssettm $0x7FFFFFFF  }
0xc3: {  	_ =	shalt  }
tec
execute0_lowered:
.L_overlay_start_1:
0x0: {  	(tag) =	ssettag $0x1  }
0x1: {  	s0 =	rddreg [dreg:$0x0]  }
0x2: {  	s1 =	rddreg [dreg:$0x1]  }
0x3: {  	s2 =	srdreg.scid;
	s8 =	stileid.u32;
	s11 =	simm.s32 $0x7640  }
0x4: {  	s13 =	simm.s32 $0x7C80;
	s15 =	simm.s32 $0x82C0;
	s17 =	simm.s32 $0x8900  }
0x5: {  	s19 =	simm.s32 $0x8F40;
	s20 =	simm.s32 $0x1;
	s21 =	simm.s32 $0x9580  }
0x6: {  	s22 =	simm.s32 $0x2;
	s23 =	simm.s32 $0x9BC0;
	s28 =	simm.s32 $0xA  }
0x7: {  	s29 =	simm.s32 $0x5;
	s30 =	simm.s32 $0xB;
	s31 =	simm.s32 $0x6  }
0x8: {  	s10 =	simm.s32 $0xD;
	s12 =	simm.s32 $0x8;
	s14 =	simm.s32 $0xE  }
0x9: {  	s4 =	sand.u32 $0x1, s2;
	s2 =	simm.s32 $0x0;
	s3 =	sshll.u32 s8, $0xA  }
0xa: {  	s8 =	smul.u32 $0x32000, s8;
	s5 =	sshll.u32 s4, $0x9;
	[smem:$0x7FF] =	sst s2  }
0xb: {  	s6 =	ssub.s32 $0x2, s4;
	s4 =	smul.u32 $0x19000, s4;
	s3 =	sor.u32 s5, s3  }
0xc: {  	_ =	strace $0x80000047;
	s7 =	sshrl.u32 s6, $0x1;
	s26 =	sadd.s32 s8, s1  }
0xd: {  	s8 =	simm.s32 $0x32;
	s1 =	simm.s32 $0x7;
	s5 =	smul.u32 $0x7, s3  }
.Ltmp0:
0xe: {  	s3 =	sadd.s32 $0xF42E00, s0;
	s24 =	ssub.s32 s6, s7;
	(pc) =	sbr.rel .LBB2_1-.Ltmp0, $4  }
0xf: {  	s6 =	simm.s32 $0x0;
	s25 =	smax.u32 s24, $0x1;
	s0 =	sadd.s32 s5, s0  }
0x10: {  	s24 =	simm.s32 $0x3;
	[dreg:$0x4] =	wrdreg s25;
	s0 =	sadd.s32 $0xA00, s0  }
0x11: {  	s25 =	simm.s32 $0x9;
	[dreg:$0x3] =	wrdreg s0;
	s0 =	sadd.s32 s4, s26  }
0x12: {  	s26 =	simm.s32 $0x4;
	[dreg:$0x5] =	wrdreg s0;
	s0 =	simm.s32 $0xC  }
.LBB2_4:
0x13: {  	s4 =	simm.s32 $0xF  }
0x14: {  	_ =	swait.ge [sflag:s4], $0x640  }
0x15: {  	[sflag:s4] =	ssyncset.done $0x0  }
0x16: {  	s5 =	simm.s32 $0x10;
	[sflag:s4] =	ssyncadd.s32 $0xFFFFF9C0  }
0x17: {  	_ =	swait.ge [sflag:s5], $0x640  }
0x18: {  	s6 =	rddreg [dreg:$0x6]  }
0x19: {  	s18 =	rddreg [dreg:$0x4];
	s6 =	sadd.s32 $0x1, s6  }
0x1a: {  	p0 =	sne.s32 s6, s18  }
.Ltmp1:
0x1b: {  	_ = 	snop;
	(pc) =	sbr.rel @!p0 .LBB2_5-.Ltmp1, $3  }
0x1c: {  	_ =	sdelay $0x1  }
0x1d: {  	[sflag:s5] =	ssyncset.done $0x0  }
0x1e: {  	[sflag:s5] =	ssyncadd.s32 $0xFFFFF9C0  }
.LBB2_1:
0x1f: {  	[dreg:$0x6] =	wrdreg s6  }
0x20: {  	s4 =	rddreg [dreg:$0x3];
	s18 =	simm.s32 $0x11  }
0x21: {  	[tilespmem:s2], [sflag:$0x11] =	stream.linear.gather [hbm4b:s4+s2], $0x7000, $0x38;
	[tilespmem:$0xA200] =	vst v63  }
0x22: {  	_ =	swait.ge [sflag:s18], $0x7000  }
0x23: {  	[sflag:s18] =	ssyncset.done $0x0  }
0x24: {  	s5 =	simm.s32 $0x7000;
	[sflag:s18] =	ssyncadd.s32 $0xFFFF9000  }
0x25: {  	[tilespmem:s5], [sflag:$0x1] =	stream.indirect.gather [hbm4b:s3+s8], $0x20, s2, s8, $0xb8;
	[tilespmem:$0xA200] =	vst v63  }
0x26: {  	s6 =	simm.s32 $0x38  }
0x27: {  	[tilespmem:s11], [sflag:$0x2] =	stream.indirect.gather [hbm4b:s3+s8], $0x20, s6, s8, $0xb8;
	[tilespmem:$0xA200] =	vst v63  }
0x28: {  	s7 =	simm.s32 $0x70  }
0x29: {  	[tilespmem:s13], [sflag:$0x3] =	stream.indirect.gather [hbm4b:s3+s8], $0x20, s7, s8, $0xb8;
	[tilespmem:$0xA200] =	vst v63  }
0x2a: {  	s9 =	simm.s32 $0xA8  }
0x2b: {  	[tilespmem:s15], [sflag:$0x4] =	stream.indirect.gather [hbm4b:s3+s8], $0x20, s9, s8, $0xb8;
	[tilespmem:$0xA200] =	vst v63  }
0x2c: {  	s16 =	simm.s32 $0xE0  }
0x2d: {  	[tilespmem:s17], [sflag:$0x5] =	stream.indirect.gather [hbm4b:s3+s8], $0x20, s16, s8, $0xb8;
	[tilespmem:$0xA200] =	vst v63  }
0x2e: {  	s18 =	simm.s32 $0x118;
	s5 =	simm.s32 $0x0;
	s6 =	rddreg [dreg:$0x5]  }
0x2f: {  	[tilespmem:s19], [sflag:$0x6] =	stream.indirect.gather [hbm4b:s3+s8], $0x20, s18, s8, $0xb8;
	[tilespmem:$0xA200] =	vst v63  }
.LBB2_2:
0x30: {  	_ =	swait.ge [sflag:s20], $0x640  }
0x31: {  	p0 =	seq.s32 s5, $0x0;
	[sflag:s20] =	ssyncset.done $0x0  }
0x32: {  	s4 =	simm.s32 $0x7000;
	s16 =	simm.s32 @!p0 $0xF;
	[sflag:s20] =	ssyncadd.s32 $0xFFFFF9C0  }
0x33: {  	[hbm4b:s6+s2] =	stream.linear.scatter [tilespmem:s4], [sflag:$0x9], $0x640, $0x38;
	[tilespmem:$0xA200] =	vst v63  }
0x34: {  	_ =	swait.ge @!p0 [sflag:s16], $0x640  }
0x35: {  	s7 =	sshra.s32 s5, $0x2;
	[sflag:s16] =	ssyncset.done @!p0 $0x0  }
0x36: {  	s9 =	sadd.s32 $0x150, s7;
	[sflag:s16] =	ssyncadd.s32 @!p0 $0xFFFFF9C0  }
0x37: {  	[tilespmem:s21], [sflag:$0x7] =	stream.indirect.gather [hbm4b:s3+s8], $0x20, s9, s8, $0xb8;
	[tilespmem:$0xA200] =	vst v63  }
0x38: {  	_ =	swait.ge [sflag:s22], $0x640  }
0x39: {  	[sflag:s22] =	ssyncset.done $0x0  }
0x3a: {  	s18 =	sadd.s32 $0xC8, s6;
	s16 =	simm.s32 @!p0 $0x10;
	[sflag:s22] =	ssyncadd.s32 $0xFFFFF9C0  }
0x3b: {  	[hbm4b:s18+s2] =	stream.linear.scatter [tilespmem:s11], [sflag:$0xA], $0x640, $0x38;
	[tilespmem:$0xA200] =	vst v63  }
0x3c: {  	_ =	swait.ge @!p0 [sflag:s16], $0x640  }
0x3d: {  	[sflag:s16] =	ssyncset.done @!p0 $0x0  }
0x3e: {  	s4 =	sadd.s32 $0x188, s7;
	[sflag:s16] =	ssyncadd.s32 @!p0 $0xFFFFF9C0  }
0x3f: {  	[tilespmem:s23], [sflag:$0x8] =	stream.indirect.gather [hbm4b:s3+s8], $0x20, s4, s8, $0xb8;
	[tilespmem:$0xA200] =	vst v63  }
0x40: {  	_ =	swait.ge [sflag:s24], $0x640  }
0x41: {  	[sflag:s24] =	ssyncset.done $0x0  }
0x42: {  	s9 =	sadd.s32 $0x190, s6;
	[sflag:s24] =	ssyncadd.s32 $0xFFFFF9C0  }
0x43: {  	[hbm4b:s9+s2] =	stream.linear.scatter [tilespmem:s13], [sflag:$0xB], $0x640, $0x38;
	[tilespmem:$0xA200] =	vst v63  }
0x44: {  	p0 =	seq.s32 s5, $0x1B900;
	_ =	swait.ge [sflag:s25], $0x640  }
0x45: {  	s16 =	sshra.s32 @!p0 s5, $0x2;
	s4 =	simm.s32 @!p0 $0x32;
	[sflag:s25] =	ssyncset.done $0x0  }
0x46: {  	s18 =	sadd.s32 @!p0 $0x1C0, s16;
	s9 =	simm.s32 @!p0 $0x7000;
	[sflag:s25] =	ssyncadd.s32 $0xFFFFF9C0  }
0x47: {  	[tilespmem:s9], [sflag:$0x1] =	stream.indirect.gather @!p0 [hbm4b:s3+s4], $0x20, s18, s4, $0xb8;
	[tilespmem:$0xA200] =	vst v63  }
0x48: {  	_ =	swait.ge [sflag:s26], $0x640  }
0x49: {  	[sflag:s26] =	ssyncset.done $0x0  }
0x4a: {  	s18 =	sadd.s32 $0x258, s6;
	[sflag:s26] =	ssyncadd.s32 $0xFFFFF9C0  }
0x4b: {  	[hbm4b:s18+s2] =	stream.linear.scatter [tilespmem:s15], [sflag:$0xC], $0x640, $0x38;
	[tilespmem:$0xA200] =	vst v63  }
0x4c: {  	_ =	swait.ge [sflag:s28], $0x640  }
0x4d: {  	[sflag:s28] =	ssyncset.done $0x0  }
0x4e: {  	s9 =	sadd.s32 @!p0 $0x1F8, s16;
	s18 =	simm.s32 @!p0 $0x7640;
	[sflag:s28] =	ssyncadd.s32 $0xFFFFF9C0  }
0x4f: {  	[tilespmem:s18], [sflag:$0x2] =	stream.indirect.gather @!p0 [hbm4b:s3+s4], $0x20, s9, s4, $0xb8;
	[tilespmem:$0xA200] =	vst v63  }
0x50: {  	_ =	swait.ge [sflag:s29], $0x640  }
0x51: {  	[sflag:s29] =	ssyncset.done $0x0  }
0x52: {  	s18 =	sadd.s32 $0x320, s6;
	[sflag:s29] =	ssyncadd.s32 $0xFFFFF9C0  }
0x53: {  	[hbm4b:s18+s2] =	stream.linear.scatter [tilespmem:s17], [sflag:$0xD], $0x640, $0x38;
	[tilespmem:$0xA200] =	vst v63  }
0x54: {  	_ =	swait.ge [sflag:s30], $0x640  }
0x55: {  	[sflag:s30] =	ssyncset.done $0x0  }
0x56: {  	s9 =	sadd.s32 @!p0 $0x230, s16;
	s18 =	simm.s32 @!p0 $0x7C80;
	[sflag:s30] =	ssyncadd.s32 $0xFFFFF9C0  }
0x57: {  	[tilespmem:s18], [sflag:$0x3] =	stream.indirect.gather @!p0 [hbm4b:s3+s4], $0x20, s9, s4, $0xb8;
	[tilespmem:$0xA200] =	vst v63  }
0x58: {  	_ =	swait.ge [sflag:s31], $0x640  }
0x59: {  	[sflag:s31] =	ssyncset.done $0x0  }
0x5a: {  	s18 =	sadd.s32 $0x3E8, s6;
	[sflag:s31] =	ssyncadd.s32 $0xFFFFF9C0  }
0x5b: {  	[hbm4b:s18+s2] =	stream.linear.scatter [tilespmem:s19], [sflag:$0xE], $0x640, $0x38;
	[tilespmem:$0xA200] =	vst v63  }
0x5c: {  	_ =	swait.ge [sflag:s0], $0x640  }
0x5d: {  	[sflag:s0] =	ssyncset.done $0x0  }
0x5e: {  	s9 =	sadd.s32 @!p0 $0x268, s16;
	s18 =	simm.s32 @!p0 $0x82C0;
	[sflag:s0] =	ssyncadd.s32 $0xFFFFF9C0  }
0x5f: {  	[tilespmem:s18], [sflag:$0x4] =	stream.indirect.gather @!p0 [hbm4b:s3+s4], $0x20, s9, s4, $0xb8;
	[tilespmem:$0xA200] =	vst v63  }
0x60: {  	_ =	swait.ge [sflag:s1], $0x640  }
0x61: {  	[sflag:s1] =	ssyncset.done $0x0  }
0x62: {  	s18 =	sadd.s32 $0x4B0, s6;
	[sflag:s1] =	ssyncadd.s32 $0xFFFFF9C0  }
0x63: {  	[hbm4b:s18+s2] =	stream.linear.scatter [tilespmem:s21], [sflag:$0xF], $0x640, $0x38;
	[tilespmem:$0xA200] =	vst v63  }
0x64: {  	_ =	swait.ge [sflag:s10], $0x640  }
0x65: {  	[sflag:s10] =	ssyncset.done $0x0  }
0x66: {  	s9 =	sadd.s32 @!p0 $0x2A0, s16;
	s16 =	simm.s32 @!p0 $0x8900;
	[sflag:s10] =	ssyncadd.s32 $0xFFFFF9C0  }
0x67: {  	[tilespmem:s16], [sflag:$0x5] =	stream.indirect.gather @!p0 [hbm4b:s3+s4], $0x20, s9, s4, $0xb8;
	[tilespmem:$0xA200] =	vst v63  }
0x68: {  	_ =	swait.ge [sflag:s12], $0x640  }
0x69: {  	[sflag:s12] =	ssyncset.done $0x0  }
.Ltmp2:
0x6a: {  	s18 =	sadd.s32 $0x578, s6;
	[sflag:s12] =	ssyncadd.s32 $0xFFFFF9C0;
	(pc) =	sbr.rel @p0 .LBB2_4-.Ltmp2, $4  }
0x6b: {  	[hbm4b:s18+s2] =	stream.linear.scatter [tilespmem:s23], [sflag:$0x10], $0x640, $0x38;
	[tilespmem:$0xA200] =	vst v63  }
0x6c: {  	_ =	swait.ge [sflag:s14], $0x640  }
0x6d: {  	[sflag:s14] =	ssyncset.done $0x0  }
0x6e: {  	[sflag:s14] =	ssyncadd.s32 $0xFFFFF9C0  }
.Ltmp3:
0x6f: {  	(pc) =	sbr.rel .LBB2_2-.Ltmp3, $3  }
0x70: {  	_ =	sdelay $0x1  }
0x71: {  	s4 =	sadd.s32 $0x2D8, s7;
	s5 =	sadd.s32 $0x700, s5;
	s6 =	sadd.s32 $0x640, s6  }
0x72: {  	[tilespmem:s19], [sflag:$0x6] =	stream.indirect.gather [hbm4b:s3+s8], $0x20, s4, s8, $0xb8;
	[tilespmem:$0xA200] =	vst v63  }
.LBB2_5:
0x73: {  	_ =	sfence.sel $0x180000  }
0x74: {  	[bflag:$0x0] =	sbarrier.arrive $0xFFFF  }
0x75: {  	_ =	strace $0x90000047  }
0x76: {  	s0 =	stileid.u32;
	[bflag:$0x2] =	sbarrier.arrive $0xFFFF  }
0x77: {  	p0 =	sne.s32 s0, $0x0;
	s0 =	rddreg [dreg:$0x2]  }
0x78: {  	s0 =	sadd.s32 @!p0 $0x100000, s0  }
0x79: {  	[sflag:s0] =	ssyncadd.tile.s32 @!p0 $0x1;
	_ =	shalt  }
.Lfunc_end2:
_tile_overlayer_lowered:
.L_overlay_start_2:
0x7a: {  	(tag) =	ssettag $0x2  }
0x7b: {  	s0 =	rddreg [dreg:$0x0];
	s2 =	stileid.u32  }
0x7c: {  	s1 =	rddreg [dreg:$0x1];
	p0 =	sne.s32 s2, $0x0  }
0x7d: {  	s3 =	rddreg [dreg:$0x2];
	[bflag:$0x3] =	sbarrier.arrive $0xFFFF;
	s2 =	simm.s32 @!p0 $0x1C11  }
0x7e: {  	[timem:s3], [sflag:s2] =	dma.local @!p0 [hbm:s0], s1  }
0x7f: {  	s0 =	simm.s32 @!p0 $0x11  }
0x80: {  	_ =	swait.ge @!p0 [sflag:s0], s1  }
0x81: {  	s1 =	ssub.s32 @!p0 $0x0, s1;
	[sflag:s0] =	ssyncset.done @!p0 $0x0  }
0x82: {  	[sflag:s0] =	ssyncadd.s32 @!p0 s1  }
0x83: {  	[bflag:$0x3] =	sbarrier.arrive $0xFFFF  }
0x84: {  	_ =	shalt  }

// kernel: sparse-core-data-format-call.cloned.1.call-start
scs
called_computation_lowered:
.L_overlay_start_0:
0x0: {  	s2 =	sld [smem:$0x3FD9]  }
0x1: {  	s3 =	sld [smem:$0x3FFE];
	_ =	sdelay $0x1  }
0x2: {  	s1 =	srdreg.scid  }
0x3: {  	s0 =	sand.u32 $0x1, s1  }
0x4: {  	s18 =	sshll.u32 s0, $0xA;
	s2 =	sadd.s32 s3, s2  }
0x5: {  	s2 =	sadd.s32 s2, s18  }
0x6: {  	[smem:$0x3FC6] =	sst s2  }
0x7: {  	_ = 	snop  }
0x8: {  	s2 =	sld [smem:$0x3FD0];
	(tm) =	ssettm $0x1  }
0x9: {  	s19 =	sld [smem:$0x3FFB];
	_ =	sdelay $0x3  }
0xa: {  	_ =	strace s19  }
0xb: {  	s3 =	sld [smem:$0x3FFC];
	_ =	sdelay $0x3  }
0xc: {  	_ =	strace s3  }
0xd: {  	s3 =	sld [smem:$0x3FFD];
	_ =	sdelay $0x3  }
0xe: {  	_ =	strace s3  }
0xf: {  	_ =	strace $0x8FFFFFFF  }
0x10: {  	s20 =	sld [smem:$0x3FDB];
	_ =	sdelay $0x1  }
0x11: {  	s4 =	simm.s32 $_scs_section_size  }
0x12: {  	s5 =	simm.s32 $_size__tile_overlayer_lowered;
	s6 =	simm.s32 $_tile_overlayer_lowered  }
0x13: {  	s23 =	simm.s32 $0x1BFF;
	s22 =	sshll.u32 s6, $0x1;
	s3 =	sadd.s32 s4, s20  }
0x14: {  	s7 =	simm.s32 $0x0;
	s21 =	sshll.u32 s5, $0x1;
	s5 =	sadd.s32 s22, s3  }
0x15: {  	[timem:s7], [sflag:s23] =	dma.local [hbm:s5], s21  }
0x16: {  	_ =	swait.ge [sflag:s23], s21  }
0x17: {  	s4 =	ssub.s32 $0x0, s21;
	[sflag:s23] =	ssyncset.done $0x0  }
0x18: {  	[sflag:s23] =	ssyncadd.s32 s4;
	_ =	sdelay $0x1  }
0x19: {  	s24 =	simm.s32 $0x1B8B  }
0x1a: {  	_ =	swait.ge [sflag:s24], $0x1  }
0x1b: {  	[sflag:s24] =	ssyncset.done $0x0  }
0x1c: {  	s26 =	simm.s32 $0x1B8E;
	s25 =	sld [smem:$0x3FFE];
	[sflag:s24] =	ssyncadd.s32 $0xFFFFFFFF  }
0x1d: {  	s27 =	simm.s32 $execute0_lowered;
	[smem:$0x3FD2] =	sst s26  }
0x1e: {  	s5 =	sshll.u32 s27, $0x1;
	_ =	strace $0x80000049;
	[dreg:$0x1] =	wrdreg $0xFFFFFFFF  }
0x1f: {  	s28 =	simm.s32 $_size_execute0_lowered;
	s3 =	sadd.s32 s3, s5;
	[dreg:$0x0] =	wrdreg $0x0  }
0x20: {  	s5 =	sshll.u32 s28, $0x1;
	[dreg:$0x2] =	wrdreg s3  }
0x21: {  	[dreg:$0x3] =	wrdreg s5  }
0x22: {  	[dreg:$0x4] =	wrdreg $0xC0  }
0x23: {  	_ =	task [dreg:s7], $0x5FFFF  }
0x24: {  	[dreg:$0x1] =	wrdreg $0xFFFFFFFF  }
0x25: {  	[dreg:$0x0] =	wrdreg $0x60  }
0x26: {  	[dreg:$0x2] =	wrdreg s25  }
0x27: {  	[dreg:$0x3] =	wrdreg s2  }
0x28: {  	[dreg:$0x4] =	wrdreg $0x9  }
0x29: {  	_ =	task.clear_ibuf [dreg:s7], $0x5FFFF;
	_ =	strace $0x90000049  }
0x2a: {  	s29 =	simm.s32 $0x9;
	_ =	strace $0x8000004B  }
0x2b: {  	_ =	swait.ge [sflag:s29], $0x1  }
0x2c: {  	[sflag:s29] =	ssyncadd.s32 $0xFFFFFFFF  }
0x2d: {  	_ =	strace $0x9000004B  }
0x2e: {  	_ =	sfence  }
0x2f: {  	s30 =	sld [smem:$0x0];
	_ =	sdelay $0x2  }
0x30: {  	s31 =	sshll.u32 s1, $0xD;
	s1 =	sshrl.u32 s1, $0x2  }
0x31: {  	s3 =	sand.u32 $0x4000, s31;
	s1 =	sadd.s32 s1, s30  }
0x32: {  	s0 =	sor.u32 s3, s0;
	s1 =	sshll.u32 s1, $0x11  }
0x33: {  	s0 =	sor.u32 s1, s0  }
0x34: {  	s0 =	sadd.s32 $0x8F2B, s0  }
0x35: {  	[sflag:s0] =	ssyncadd.remote.s32 $0x1  }
0x36: {  	_ =	sfence.sel $0xFFFF  }
0x37: {  	[dreg:$0x0] =	wrdreg $0xFFFFFFFF;
	(pc) =	sbr.abs _section_cstart, $3  }
0x38: {  	[dreg:$0x1] =	wrdreg $0xFFFFFFFF  }
0x39: {  	_ =	task.clear_ibuf [dreg:s7], $0x2FFFF;
	_ =	strace $0x9FFFFFFF  }
0x3a: {  	(tm) =	ssettm $0x7FFFFFFF  }
0x3b: {  	_ =	shalt  }
tec
execute0_lowered:
.L_overlay_start_1:
0x0: {  	(tag) =	ssettag $0x1  }
0x1: {  	s0 =	srdreg.scid  }
0x2: {  	s1 =	sshll.u32 s0, $0x4  }
0x3: {  	s0 =	stileid.u32;
	s1 =	sand.u32 $0x10, s1  }
0x4: {  	s1 =	sor.u32 s0, s1  }
0x5: {  	s6 =	rddreg [dreg:$0x0];
	s4 =	simm.s32 $0x1;
	s2 =	sshll.u32 s1, $0x7  }
0x6: {  	s7 =	simm.s32 $0x2;
	s12 =	simm.s32 $0x0;
	s1 =	ssub.s32 $0x4000, s2  }
0x7: {  	s8 =	simm.s32 $0x20000;
	s13 =	simm.s32 $0x0;
	s3 =	sand.u32 $0xF80, s1  }
0x8: {  	s9 =	simm.s32 $0x0;
	s5 =	sshrl.u32 s1, $0xC;
	p0 =	sne.s32 s3, $0x0  }
.Ltmp0:
0x9: {  	s1 =	rddreg [dreg:$0x2];
	s4 =	simm.s32 @!p0 $0x0;
	(pc) =	sbr.rel .LBB1_1-.Ltmp0, $4  }
0xa: {  	s11 =	simm.s32 $0x0;
	s3 =	rddreg [dreg:$0x1];
	s5 =	sadd.s32 s4, s5  }
0xb: {  	_ =	strace $0x8000004A;
	s4 =	simm.s32 $0x1;
	s5 =	smul.u32 $0x32, s5  }
0xc: {  	s6 =	sadd.s32 $0xA00, s6;
	s10 =	smov.u32 s2;
	[sflag:s4] =	ssyncpa.u1 $0x0  }
0xd: {  	p0 =	por $0x0, $0x0;
	[sflag:s7] =	ssyncpa.u1 $0x0;
	s7 =	sor.u32 $0x1, s5  }
.LBB1_4:
0xe: {  	s16 =	sshll.u32 s13, $0x3;
	s17 =	sand.u32 $0x78, s13  }
0xf: {  	s30 =	sand.u32 $0xF800, s13;
	s12 =	sshll.u32 s12, $0x10;
	s16 =	sand.u32 $0x3C00, s16  }
0x10: {  	s31 =	sand.u32 $0x7, s13;
	s16 =	sor.u32 s17, s16;
	s17 =	sadd.s32 s3, s30  }
0x11: {  	s13 =	sshll.u32 s31, $0x12;
	s16 =	sshrl.u32 s16, $0x3;
	s12 =	sadd.s32 s12, s17  }
0x12: {  	[tilespmem:s15+$0x0 ss:$0x81] =	vst.msk $0xffff, v0;
	s13 =	sor.u32 $0x400, s13;
	s12 =	sadd.s32 s16, s12  }
0x13: {  	[hbm4b:s12+s13] =	stream.strided.scatter [tilespmem:s14], [sflag:$0x2], $0x1000, s8, s13, $0x20;
	[tilespmem:$0x4040] =	vst v63  }
.LBB1_5:
0x14: {  	s14 =	sadd.s32 $0x1, s9  }
0x15: {  	s12 =	sadd.s32 $0x1000, s10;
	s16 =	smov.u32 s10;
	p2 =	sgt.s32 s14, $0x31  }
0x16: {  	s16 =	smov.u32 @p2 s12  }
0x17: {  	s14 =	simm.s32 @p2 $0x0;
	p2 =	sgt.s32 s16, $0x3FFF  }
0x18: {  	s16 =	smov.u32 @p2 s2;
	p2 =	sne.s32 s11, s7  }
.Ltmp1:
0x19: {  	p1 =	slt.u32 s11, $0x2;
	(pc) =	sbr.rel @!p2 .LBB1_6-.Ltmp1, $4  }
0x1a: {  	s15 =	simm.s32 @!p1 $0x2  }
0x1b: {  	s13 =	smov.u32 s10;
	p0 =	por !p0, !p0;
	_ =	swait.ge @!p1 [sflag:s15], $0x1000  }
0x1c: {  	s12 =	smov.u32 s9;
	[sflag:s15] =	ssyncset.done @!p1 $0x0;
	s9 =	smov.u32 s14  }
0x1d: {  	s11 =	sadd.s32 $0x1, s11;
	[sflag:s15] =	ssyncadd.s32 @!p1 $0xFFFFF000;
	s10 =	smov.u32 s16  }
.LBB1_1:
0x1e: {  	p1 =	sge.u32 s11, s5  }
0x1f: {  	s14 =	sand.u32 @!p1 $0x1FFFFFF, s9  }
0x20: {  	s15 =	smulhi.u32 @!p1 $0x4924925, s14;
	_ =	sdelay $0x1  }
0x21: {  	s15 =	smul.u32 @!p1 $0x38, s15  }
0x22: {  	s16 =	sxor.u32 @!p1 $0xFFFFFFFF, s11;
	s17 =	smul.u32 @!p1 $0x380, s10  }
0x23: {  	s31 =	sadd.s32 $0xFFFFFFFF, s11;
	s16 =	sshll.u32 @!p1 s16, $0xC;
	s14 =	ssub.s32 @!p1 s14, s15  }
0x24: {  	s15 =	sand.u32 @!p1 $0x1000, s16;
	s16 =	sadd.s32 @!p1 s6, s17;
	s14 =	sshll.u32 @!p1 s14, $0x4  }
0x25: {  	s17 =	simm.s32 @!p1 $0x1C00;
	s14 =	sadd.s32 @!p1 s14, s16;
	s16 =	simm.s32 @!p1 $0x20  }
0x26: {  	[tilespmem:s15], [sflag:$0x1] =	stream.strided.gather @!p1 [hbm4b:s14+s16], $0x1000, s17, s16, $0x38;
	[tilespmem:$0x4040] =	vst v63  }
0x27: {  	p1 =	sge.u32 s31, s5  }
.Ltmp2:
0x28: {  	_ = 	snop;
	(pc) =	sbr.rel @p1 .LBB1_5-.Ltmp2, $1  }
0x29: {  	_ =	sdelay $0x3  }
0x2a: {  	s14 =	simm.s32 $0x1  }
0x2b: {  	_ =	swait.ge [sflag:s4], $0x1000;
	s14 =	simm.s32 @!p0 $0x0  }
0x2c: {  	[sflag:s4] =	ssyncset.done $0x0;
	s15 =	sshll.u32 s14, $0xC  }
0x2d: {  	[sflag:s4] =	ssyncadd.s32 $0xFFFFF000;
	s18 =	sor.u32 $0x10, s15  }
0x2e: {  	s14 =	smul.u32 $0x4080, s14;
	v1 =	vld [tilespmem:s18+$0x0]  }
0x2f: {  	s30 =	sand.u32 $0x1, s11;
	v0 =	vld [tilespmem:s18+$0xFFFFFFF0]  }
0x30: {  	s15 =	smul.u32 $0x4080, s30;
	s14 =	sshrl.u32 s14, $0x2  }
0x31: {  	s16 =	sor.u32 $0x2000, s14  }
0x32: {  	s31 =	sshrl.u32 s15, $0x2;
	s15 =	sadd.s32 $0x0, s16  }
0x33: {  	s17 =	simm.s32 $0x4;
	s18 =	sadd.s32 $0x20, s18;
	s14 =	sor.u32 $0x2000, s31;
	[tilespmem:s15+$0x810 ss:$0x81] =	vst.msk $0xffff, v1  }
.LBB1_3:
0x34: {  	v1 =	vld [tilespmem:s18+$0x0];
	p1 =	sne.s32 s17, $0x1FC;
	[tilespmem:s15+$0x0 ss:$0x81] =	vst.msk $0xffff, v0;
	s15 =	smov.u32 s17;
	s17 =	sadd.s32 $0x4, s17  }
.Ltmp3:
0x35: {  	v0 =	vld [tilespmem:s18+$0xFFFFFFF0];
	(pc) =	sbr.rel @p1 .LBB1_3-.Ltmp3, $4  }
0x36: {  	_ = 	snop  }
0x37: {  	s15 =	sshra.s32 s15, $0x2  }
0x38: {  	s15 =	sadd.s32 s15, s16  }
0x39: {  	s18 =	sadd.s32 $0x20, s18;
	[tilespmem:s15+$0x810 ss:$0x81] =	vst.msk $0xffff, v1  }
.Ltmp4:
0x3a: {  	_ = 	snop;
	(pc) =	sbr.rel .LBB1_4-.Ltmp4, $1  }
0x3b: {  	_ =	sdelay $0x3  }
.LBB1_6:
0x3c: {  	_ =	sfence.sel $0x180000  }
0x3d: {  	s2 =	simm.s32 $0x1;
	[bflag:$0x0] =	sbarrier.arrive $0xFFFF  }
0x3e: {  	s31 =	simm.s32 $0x2;
	[sflag:s2] =	ssyncpa.u1 $0x1  }
0x3f: {  	[sflag:s31] =	ssyncpa.u1 $0x1  }
0x40: {  	p0 =	sne.s32 s0, $0x0;
	_ =	strace $0x9000004A  }
0x41: {  	s0 =	sadd.s32 @!p0 $0x100000, s1;
	[bflag:$0x2] =	sbarrier.arrive $0xFFFF  }
0x42: {  	[sflag:s0] =	ssyncadd.tile.s32 @!p0 $0x1;
	_ =	shalt  }
.Lfunc_end1:
_tile_overlayer_lowered:
.L_overlay_start_2:
0x43: {  	(tag) =	ssettag $0x2  }
0x44: {  	s0 =	rddreg [dreg:$0x0];
	s2 =	stileid.u32  }
0x45: {  	s1 =	rddreg [dreg:$0x1];
	p0 =	sne.s32 s2, $0x0  }
0x46: {  	s3 =	rddreg [dreg:$0x2];
	[bflag:$0x3] =	sbarrier.arrive $0xFFFF;
	s2 =	simm.s32 @!p0 $0x1C01  }
0x47: {  	[timem:s3], [sflag:s2] =	dma.local @!p0 [hbm:s0], s1  }
0x48: {  	s0 =	simm.s32 @!p0 $0x1  }
0x49: {  	_ =	swait.ge @!p0 [sflag:s0], s1  }
0x4a: {  	s1 =	ssub.s32 @!p0 $0x0, s1;
	[sflag:s0] =	ssyncset.done @!p0 $0x0  }
0x4b: {  	[sflag:s0] =	ssyncadd.s32 @!p0 s1  }
0x4c: {  	[bflag:$0x3] =	sbarrier.arrive $0xFFFF  }
0x4d: {  	_ =	shalt  }

</sc_bundles>
